<compile_context>
chip_gen: v7x
topology: tpu7x:2x2x1
jax: 0.10.2.dev20260603
libtpu: 0.0.44.dev20260713+nightly
codegen_flags: <defaults>
</compile_context>

<pallas_src>
import jax
import jax.numpy as jnp
from jax import lax
from jax.experimental import pallas as pl
from jax.experimental.pallas import tpu as pltpu
from jax.experimental.pallas import tpu_sc as plsc

N = 10000
E = 320000
D = 128
NC = 2
NS = 16
NW = NC * NS
CHUNK = 128
NBUF = 2
IBLK = 16
NIB = 5
NCHUNKS = IBLK * NIB
E_PAD = NW * NCHUNKS * CHUNK
N_PAD = 10112
ROWS_PER_TILE = N_PAD // NS
NC_PAD = 10240
CROWS_PER_TILE = NC_PAD // NS


def _sum_body(table_hbm, src_hbm, dst_hbm, zrows_hbm, out_hbm,
              src_v, dst_v, *rest):
    rows = list(rest[:NBUF])
    acc_sh = rest[NBUF]
    sg = list(rest[NBUF + 1:2 * NBUF + 1])
    ss = list(rest[2 * NBUF + 1:])
    rows_a = rows[0]
    c = lax.axis_index("c")
    s = lax.axis_index("s")
    g = c * NS + s
    base = s * ROWS_PER_TILE

    @pl.loop(0, ROWS_PER_TILE // CHUNK)
    def _(kb):
        pltpu.sync_copy(table_hbm.at[pl.ds(base + kb * CHUNK, CHUNK)], rows[0])
        pltpu.sync_copy(rows[0], acc_sh.at[pl.ds(base + kb * CHUNK, CHUNK)])

    rem = ROWS_PER_TILE % CHUNK
    if rem:
        pltpu.sync_copy(
            table_hbm.at[pl.ds(base + ROWS_PER_TILE - rem, rem)],
            rows[0].at[pl.ds(0, rem)])
        pltpu.sync_copy(rows[0].at[pl.ds(0, rem)],
                        acc_sh.at[pl.ds(base + ROWS_PER_TILE - rem, rem)])
    plsc.subcore_barrier()

    def g_start(j, buf, sem):
        pltpu.async_copy(acc_sh.at[src_v.at[j]], buf, sem)

    def g_wait(j, buf, sem):
        pltpu.make_async_copy(acc_sh.at[src_v.at[j]], buf, sem).wait()

    def s_start(j, buf, sem):
        pass

    def s_wait(j, buf, sem):
        pass

    @pl.loop(0, NIB)
    def _(ib):
        pltpu.sync_copy(src_hbm.at[g, pl.ds(ib * IBLK, IBLK)], src_v)
        pltpu.sync_copy(dst_hbm.at[g, pl.ds(ib * IBLK, IBLK)], dst_v)
        for k in range(NBUF):
            g_start(k, rows[k], sg[k])

        @pl.loop(0, IBLK // NBUF - 1)
        def _(t):
            j0 = NBUF * t
            for k in range(NBUF):
                g_wait(j0 + k, rows[k], sg[k])
                s_start(j0 + k, rows[k], ss[k])
            for k in range(NBUF):
                s_wait(j0 + k, rows[k], ss[k])
                g_start(j0 + k + NBUF, rows[k], sg[k])

        j0 = IBLK - NBUF
        for k in range(NBUF):
            g_wait(j0 + k, rows[k], sg[k])
            s_start(j0 + k, rows[k], ss[k])
        for k in range(NBUF):
            s_wait(j0 + k, rows[k], ss[k])

    plsc.subcore_barrier()
    pltpu.sync_copy(acc_sh.at[pl.ds(base, ROWS_PER_TILE)],
                    out_hbm.at[c, pl.ds(base, ROWS_PER_TILE)])


def _cnt_body(dst_hbm, aux_hbm, cnt_hbm, dst_v, aux_v, cnt_sh):
    c = lax.axis_index("c")
    s = lax.axis_index("s")
    g = c * NS + s
    base = s * CROWS_PER_TILE

    pltpu.sync_copy(aux_hbm, aux_v)

    @pl.loop(0, CROWS_PER_TILE // CHUNK)
    def _(kb):
        pltpu.sync_copy(aux_v.at[pl.ds(0, CHUNK)],
                        cnt_sh.at[pl.ds(base + kb * CHUNK, CHUNK)])
    plsc.subcore_barrier()

    @pl.loop(0, NIB)
    def _(ib):
        pltpu.sync_copy(dst_hbm.at[g, pl.ds(ib * IBLK, IBLK)], dst_v)

        @pl.loop(0, IBLK)
        def _(j):
            pltpu.sync_copy(aux_v.at[pl.ds(CHUNK, CHUNK)],
                            cnt_sh.at[dst_v.at[j]], add=True)

    plsc.subcore_barrier()
    pltpu.sync_copy(cnt_sh.at[pl.ds(base, CROWS_PER_TILE)],
                    cnt_hbm.at[c, pl.ds(base, CROWS_PER_TILE)])


_mesh = plsc.VectorSubcoreMesh(core_axis_name="c", subcore_axis_name="s")

_sc_sum = pl.kernel(
    _sum_body,
    out_type=[jax.ShapeDtypeStruct((NC, N_PAD, 64), jnp.float32)],
    mesh=_mesh,
    scratch_types=(
        [pltpu.VMEM((IBLK, CHUNK), jnp.int32),
         pltpu.VMEM((IBLK, CHUNK), jnp.int32)]
        + [pltpu.VMEM((CHUNK, 64), jnp.float32)] * NBUF
        + [pltpu.VMEM_SHARED((N_PAD, 64), jnp.float32)]
        + [pltpu.SemaphoreType.DMA] * (2 * NBUF)
    ),
)

_sc_cnt = pl.kernel(
    _cnt_body,
    out_type=[jax.ShapeDtypeStruct((NC, NC_PAD, 16), jnp.float32)],
    mesh=_mesh,
    scratch_types=[
        pltpu.VMEM((IBLK, CHUNK), jnp.int32),
        pltpu.VMEM((2 * CHUNK, 16), jnp.float32),
        pltpu.VMEM_SHARED((NC_PAD, 16), jnp.float32),
    ],
)


def _make_combine(do_relu: bool):

    R = 2000

    def body(p_ref, cnt_ref, x_ref, wl_ref, bl_ref, wr_ref, o_ref):
        psum = p_ref[0] + p_ref[1]
        cnt = cnt_ref[0, :, 0:1] + cnt_ref[1, :, 0:1]
        agg = psum / jnp.maximum(cnt, 1.0)
        dims = (((1,), (1,)), ((), ()))
        acc = lax.dot_general(agg, wl_ref[...], dims,
                              precision=lax.Precision.HIGHEST,
                              preferred_element_type=jnp.float32)
        acc = acc + lax.dot_general(x_ref[...], wr_ref[...], dims,
                                    precision=lax.Precision.HIGHEST,
                                    preferred_element_type=jnp.float32)
        acc = acc + bl_ref[...]
        if do_relu:
            acc = jnp.maximum(acc, 0.0)
        o_ref[...] = acc

    return pl.pallas_call(
        body,
        grid=(N // R,),
        in_specs=[
            pl.BlockSpec((2, R, D), lambda i: (0, i, 0)),
            pl.BlockSpec((2, R, 16), lambda i: (0, i, 0)),
            pl.BlockSpec((R, D), lambda i: (i, 0)),
            pl.BlockSpec((D, D), lambda i: (0, 0)),
            pl.BlockSpec((1, D), lambda i: (0, 0)),
            pl.BlockSpec((D, D), lambda i: (0, 0)),
        ],
        out_specs=pl.BlockSpec((R, D), lambda i: (i, 0)),
        out_shape=jax.ShapeDtypeStruct((N, D), jnp.float32))


_combine_relu = _make_combine(do_relu=True)
_combine_last = _make_combine(do_relu=False)


def kernel(x, edge_index, W_l, b_l, W_r):
    src = edge_index[0].astype(jnp.int32)
    dst = edge_index[1].astype(jnp.int32)
    pad = E_PAD - E
    junk = N + (jnp.arange(pad, dtype=jnp.int32) % (N_PAD - N))
    src3 = jnp.concatenate([src, jnp.zeros((pad,), jnp.int32)]).reshape(
        NIB * IBLK, NW, CHUNK).transpose(1, 0, 2)
    dst3 = jnp.concatenate([dst, junk]).reshape(
        NIB * IBLK, NW, CHUNK).transpose(1, 0, 2)
    zrows = jnp.zeros((CHUNK, D), jnp.float32)
    aux = jnp.concatenate([jnp.zeros((CHUNK, 16), jnp.float32),
                           jnp.ones((CHUNK, 16), jnp.float32)])
    bl2 = b_l.reshape(1, D)

    (c1,) = _sc_cnt(dst3, aux)
    xp = jnp.concatenate([x, jnp.zeros((N_PAD - N, D), jnp.float32)])[:, :64]
    (p1,) = _sc_sum(xp, src3, dst3, zrows)
    p1 = jnp.concatenate([p1, p1], axis=2)
    h = _combine_relu(p1, c1, x, W_l, bl2, W_r)
    (p2,) = _sc_sum(xp + h[0, 0], src3, dst3, zrows)
    p2 = jnp.concatenate([p2, p2], axis=2)
    return _combine_last(p2, c1, h, W_l, bl2, W_r)

# --- scband reference (transcript-rebuilt; emitter-appended) ---
"""Pipeline reference for scband-gnn-60430189854726 (READ-ONLY COPY).

The authoritative reference and input builder live on the scoring server;
editing this copy changes nothing except your own understanding.
"""

import jax, jax.numpy as jnp
import numpy as np

N_NODES = 10000
N_EDGES = 320000
D = 128


def _sage_conv(x, edge_index, W_l, b_l, W_r):
    # PyG SAGEConv with mean aggregation:
    # out = lin_l(mean_{j in N(i)} x_j) + lin_r(x_i)
    src = edge_index[0]
    dst = edge_index[1]
    n = x.shape[0]
    msgs = jnp.take(x, src, axis=0)                      # gather source features
    agg = jax.ops.segment_sum(msgs, dst, num_segments=n) # scatter-add to dst
    cnt = jax.ops.segment_sum(jnp.ones((src.shape[0],), x.dtype), dst, num_segments=n)
    agg = agg / jnp.clip(cnt, 1.0, None)[:, None]        # mean aggregation
    return agg @ W_l.T + b_l + x @ W_r.T


def setup_inputs(seed: int = 0) -> dict:
    key = jax.random.key(seed)
    k_x, k_e, k_wl, k_bl, k_wr = jax.random.split(key, 5)
    x = jax.random.normal(k_x, (N_NODES, D), dtype=jnp.float32)
    edge_index = jax.random.randint(k_e, (2, N_EDGES), 0, N_NODES, dtype=jnp.int64)
    s = 1.0 / np.sqrt(D)
    W_l = jax.random.uniform(k_wl, (D, D), dtype=jnp.float32, minval=-s, maxval=s)
    b_l = jax.random.uniform(k_bl, (D,), dtype=jnp.float32, minval=-s, maxval=s)
    W_r = jax.random.uniform(k_wr, (D, D), dtype=jnp.float32, minval=-s, maxval=s)
    return {"x": x, "edge_index": edge_index, "W_l": W_l, "b_l": b_l, "W_r": W_r}


def reference(x, edge_index, W_l, b_l, W_r):
    # Faithful to the torch module: conv1 is applied TWICE (conv2 unused in forward).
    hidden = _sage_conv(x, edge_index, W_l, b_l, W_r)
    hidden = jax.nn.relu(hidden)
    hidden = _sage_conv(hidden, edge_index, W_l, b_l, W_r)
    return hidden

if __name__ == "__main__":
    import jax
    _d = setup_inputs()
    print(jax.jit(kernel)(*tuple(_d.values())))

</pallas_src>

<mosaic_0001>
#map = affine_map<(d0, d1) -> (0, 0, 0)>
#map1 = affine_map<(d0, d1) -> (0, 0)>
module attributes {stable_mosaic.version = 14 : i64} {
  func.func @_cnt_body(%arg0: i32, %arg1: i32, %arg2: memref<32x80x128xi32, #tpu.memory_space<hbm>>, %arg3: memref<256x16xf32, #tpu.memory_space<hbm>>, %arg4: memref<2x10240x16xf32, #tpu.memory_space<hbm>>, %arg5: memref<16x128xi32, #tpu.memory_space<vmem>>, %arg6: memref<256x16xf32, #tpu.memory_space<vmem>>, %arg7: memref<10240x16xf32, #tpu.memory_space<vmem_shared>>) attributes {dimension_semantics = [#tpu.dimension_semantics<core_parallel>, #tpu.dimension_semantics<subcore_parallel>], iteration_bounds = array<i64: 2, 16>, scalar_prefetch = 0 : i64, scratch_operands = 3 : i64, tpu.core_type = #tpu.core_type<sc_vector_subcore>, window_params = [{transform_indices = #map}, {transform_indices = #map1}, {transform_indices = #map}]} {
    %mul3A = arith.constant 16 : i32
    %mul3A_0 = arith.muli %arg0, %mul3A : i32
    %add3A = arith.addi %mul3A_0, %arg1 : i32
    %mul3A_1 = arith.constant 640 : i32
    %mul3A_2 = arith.muli %arg1, %mul3A_1 : i32
    "tpu.region"() ({
      %run_scoped3A = tpu.sem_alloc : memref<!tpu.dma_semaphore, #tpu.memory_space<semaphore_mem>>
      tpu.enqueue_dma source(%arg3 : memref<256x16xf32, #tpu.memory_space<hbm>>) target(%arg6 : memref<256x16xf32, #tpu.memory_space<vmem>>) target_semaphore(%run_scoped3A : memref<!tpu.dma_semaphore, #tpu.memory_space<semaphore_mem>>)
      tpu.wait_dma2 semaphore(%run_scoped3A : memref<!tpu.dma_semaphore, #tpu.memory_space<semaphore_mem>>) src(%arg3 : memref<256x16xf32, #tpu.memory_space<hbm>>) dst(%arg6 : memref<256x16xf32, #tpu.memory_space<vmem>>)
      tpu.yield
    }) : () -> ()
    %scan3A = arith.constant 0 : i32
    %scan3A_3 = arith.constant 5 : i32
    %scan3A_4 = arith.addi %scan3A, %scan3A_3 : i32
    %scan3A_5 = arith.constant 1 : i32
    scf.for %scan3A_13 = %scan3A to %scan3A_4 step %scan3A_5  : i32 {
      %mul3A_14 = arith.constant 1 : i32
      %mul3A_15 = arith.muli %scan3A_13, %mul3A_14 : i32
      %add3A_16 = arith.constant 0 : i32
      %add3A_17 = arith.addi %add3A_16, %mul3A_15 : i32
      %mul3A_18 = arith.constant 128 : i32
      %mul3A_19 = arith.muli %add3A_17, %mul3A_18 : i32
      %add3A_20 = arith.addi %mul3A_2, %mul3A_19 : i32
      "tpu.region"() ({
        %run_scoped3A = tpu.sem_alloc : memref<!tpu.dma_semaphore, #tpu.memory_space<semaphore_mem>>
        %dma_start3A = arith.constant 0 : i32
        %dma_start3A_21 = arith.constant 0 : i32
        %dma_start3A_22 = tpu.memref_slice %arg6[%dma_start3A, %dma_start3A_21] : memref<256x16xf32, #tpu.memory_space<vmem>> -> memref<128x16xf32, #tpu.memory_space<vmem>>
        %dma_start3A_23 = arith.constant 0 : i32
        %dma_start3A_24 = tpu.memref_slice %arg7[%add3A_20, %dma_start3A_23] : memref<10240x16xf32, #tpu.memory_space<vmem_shared>> -> memref<128x16xf32, #tpu.memory_space<vmem_shared>>
        %dma_start3A_25 = arith.constant 0 : i32
        %dma_start3A_26 = tpu.memref_slice %arg7[%add3A_20, %dma_start3A_25] : memref<10240x16xf32, #tpu.memory_space<vmem_shared>> -> memref<128x16xf32, #tpu.memory_space<vmem_shared>>
        %dma_start3A_27 = arith.constant 0 : i32
        %dma_start3A_28 = arith.constant 0 : i32
        %dma_start3A_29 = tpu.memref_slice %arg6[%dma_start3A_27, %dma_start3A_28] : memref<256x16xf32, #tpu.memory_space<vmem>> -> memref<128x16xf32, #tpu.memory_space<vmem>>
        tpu.enqueue_dma source(%dma_start3A_29 : memref<128x16xf32, #tpu.memory_space<vmem>>) target(%dma_start3A_26 : memref<128x16xf32, #tpu.memory_space<vmem_shared>>) target_semaphore(%run_scoped3A : memref<!tpu.dma_semaphore, #tpu.memory_space<semaphore_mem>>)
        %dma_wait3A = arith.constant 0 : i32
        %dma_wait3A_30 = arith.constant 0 : i32
        %dma_wait3A_31 = tpu.memref_slice %arg6[%dma_wait3A, %dma_wait3A_30] : memref<256x16xf32, #tpu.memory_space<vmem>> -> memref<128x16xf32, #tpu.memory_space<vmem>>
        %dma_wait3A_32 = arith.constant 0 : i32
        %dma_wait3A_33 = tpu.memref_slice %arg7[%add3A_20, %dma_wait3A_32] : memref<10240x16xf32, #tpu.memory_space<vmem_shared>> -> memref<128x16xf32, #tpu.memory_space<vmem_shared>>
        %dma_wait3A_34 = arith.constant 0 : i32
        %dma_wait3A_35 = tpu.memref_slice %arg7[%add3A_20, %dma_wait3A_34] : memref<10240x16xf32, #tpu.memory_space<vmem_shared>> -> memref<128x16xf32, #tpu.memory_space<vmem_shared>>
        %dma_wait3A_36 = arith.constant 0 : i32
        %dma_wait3A_37 = arith.constant 0 : i32
        %dma_wait3A_38 = tpu.memref_slice %arg6[%dma_wait3A_36, %dma_wait3A_37] : memref<256x16xf32, #tpu.memory_space<vmem>> -> memref<128x16xf32, #tpu.memory_space<vmem>>
        tpu.wait_dma2 semaphore(%run_scoped3A : memref<!tpu.dma_semaphore, #tpu.memory_space<semaphore_mem>>) src(%dma_wait3A_38 : memref<128x16xf32, #tpu.memory_space<vmem>>) dst(%dma_wait3A_35 : memref<128x16xf32, #tpu.memory_space<vmem_shared>>)
        tpu.yield
      }) : () -> ()
    }
    %scan3A_6 = arith.constant 5 : i32
    %barrier3A = arith.constant 0 : index
    tpu.barrier barrier_id(%barrier3A)
    %scan3A_7 = arith.constant 0 : i32
    %scan3A_8 = arith.constant 5 : i32
    %scan3A_9 = arith.addi %scan3A_7, %scan3A_8 : i32
    %scan3A_10 = arith.constant 1 : i32
    scf.for %scan3A_13 = %scan3A_7 to %scan3A_9 step %scan3A_10  : i32 {
      %mul3A_14 = arith.constant 1 : i32
      %mul3A_15 = arith.muli %scan3A_13, %mul3A_14 : i32
      %add3A_16 = arith.constant 0 : i32
      %add3A_17 = arith.addi %add3A_16, %mul3A_15 : i32
      %mul3A_18 = arith.constant 16 : i32
      %mul3A_19 = arith.muli %add3A_17, %mul3A_18 : i32
      "tpu.region"() ({
        %run_scoped3A = tpu.sem_alloc : memref<!tpu.dma_semaphore, #tpu.memory_space<semaphore_mem>>
        %dma_start3A = arith.constant 0 : i32
        %dma_start3A_25 = tpu.memref_slice %arg2[%add3A, %mul3A_19, %dma_start3A] : memref<32x80x128xi32, #tpu.memory_space<hbm>> -> memref<1x16x128xi32, #tpu.memory_space<hbm>>
        %dma_start3A_26 = tpu.memref_squeeze %dma_start3A_25 : memref<1x16x128xi32, #tpu.memory_space<hbm>> -> memref<16x128xi32, #tpu.memory_space<hbm>>
        %dma_start3A_27 = arith.constant 0 : i32
        %dma_start3A_28 = tpu.memref_slice %arg2[%add3A, %mul3A_19, %dma_start3A_27] : memref<32x80x128xi32, #tpu.memory_space<hbm>> -> memref<1x16x128xi32, #tpu.memory_space<hbm>>
        %dma_start3A_29 = tpu.memref_squeeze %dma_start3A_28 : memref<1x16x128xi32, #tpu.memory_space<hbm>> -> memref<16x128xi32, #tpu.memory_space<hbm>>
        tpu.enqueue_dma source(%dma_start3A_29 : memref<16x128xi32, #tpu.memory_space<hbm>>) target(%arg5 : memref<16x128xi32, #tpu.memory_space<vmem>>) target_semaphore(%run_scoped3A : memref<!tpu.dma_semaphore, #tpu.memory_space<semaphore_mem>>)
        %dma_wait3A = arith.constant 0 : i32
        %dma_wait3A_30 = tpu.memref_slice %arg2[%add3A, %mul3A_19, %dma_wait3A] : memref<32x80x128xi32, #tpu.memory_space<hbm>> -> memref<1x16x128xi32, #tpu.memory_space<hbm>>
        %dma_wait3A_31 = tpu.memref_squeeze %dma_wait3A_30 : memref<1x16x128xi32, #tpu.memory_space<hbm>> -> memref<16x128xi32, #tpu.memory_space<hbm>>
        %dma_wait3A_32 = arith.constant 0 : i32
        %dma_wait3A_33 = tpu.memref_slice %arg2[%add3A, %mul3A_19, %dma_wait3A_32] : memref<32x80x128xi32, #tpu.memory_space<hbm>> -> memref<1x16x128xi32, #tpu.memory_space<hbm>>
        %dma_wait3A_34 = tpu.memref_squeeze %dma_wait3A_33 : memref<1x16x128xi32, #tpu.memory_space<hbm>> -> memref<16x128xi32, #tpu.memory_space<hbm>>
        tpu.wait_dma2 semaphore(%run_scoped3A : memref<!tpu.dma_semaphore, #tpu.memory_space<semaphore_mem>>) src(%dma_wait3A_34 : memref<16x128xi32, #tpu.memory_space<hbm>>) dst(%arg5 : memref<16x128xi32, #tpu.memory_space<vmem>>)
        tpu.yield
      }) : () -> ()
      %scan3A_20 = arith.constant 0 : i32
      %scan3A_21 = arith.constant 16 : i32
      %scan3A_22 = arith.addi %scan3A_20, %scan3A_21 : i32
      %scan3A_23 = arith.constant 1 : i32
      scf.for %scan3A_25 = %scan3A_20 to %scan3A_22 step %scan3A_23  : i32 {
        %mul3A_26 = arith.constant 1 : i32
        %mul3A_27 = arith.muli %scan3A_25, %mul3A_26 : i32
        %add3A_28 = arith.constant 0 : i32
        %add3A_29 = arith.addi %add3A_28, %mul3A_27 : i32
        "tpu.region"() ({
          %run_scoped3A = tpu.sem_alloc : memref<!tpu.dma_semaphore, #tpu.memory_space<semaphore_mem>>
          %dma_start3A = arith.constant 128 : i32
          %dma_start3A_30 = arith.constant 0 : i32
          %dma_start3A_31 = tpu.memref_slice %arg6[%dma_start3A, %dma_start3A_30] : memref<256x16xf32, #tpu.memory_space<vmem>> -> memref<128x16xf32, #tpu.memory_space<vmem>>
          %dma_start3A_32 = arith.constant 0 : i32
          %dma_start3A_33 = tpu.memref_slice %arg5[%add3A_29, %dma_start3A_32] : memref<16x128xi32, #tpu.memory_space<vmem>> -> memref<1x128xi32, #tpu.memory_space<vmem>>
          %dma_start3A_34 = tpu.memref_squeeze %dma_start3A_33 : memref<1x128xi32, #tpu.memory_space<vmem>> -> memref<128xi32, #tpu.memory_space<vmem>>
          %dma_start3A_35 = arith.constant 0 : i32
          %dma_start3A_36 = arith.constant 0 : i32
          %dma_start3A_37 = tpu.memref_slice %arg7[%dma_start3A_35, %dma_start3A_36] : memref<10240x16xf32, #tpu.memory_space<vmem_shared>> -> memref<10240x16xf32, #tpu.memory_space<vmem_shared>>
          tpu.enqueue_indirect_dma source(%dma_start3A_31 : memref<128x16xf32, #tpu.memory_space<vmem>>) target(%dma_start3A_37 : memref<10240x16xf32, #tpu.memory_space<vmem_shared>>) offsets(%dma_start3A_34 : memref<128xi32, #tpu.memory_space<vmem>>) semaphore(%run_scoped3A : memref<!tpu.dma_semaphore, #tpu.memory_space<semaphore_mem>>) {add = true}
          %dma_wait3A = arith.constant 128 : i32
          %dma_wait3A_38 = arith.constant 0 : i32
          %dma_wait3A_39 = tpu.memref_slice %arg6[%dma_wait3A, %dma_wait3A_38] : memref<256x16xf32, #tpu.memory_space<vmem>> -> memref<128x16xf32, #tpu.memory_space<vmem>>
          %dma_wait3A_40 = arith.constant 0 : i32
          %dma_wait3A_41 = tpu.memref_slice %arg5[%add3A_29, %dma_wait3A_40] : memref<16x128xi32, #tpu.memory_space<vmem>> -> memref<1x128xi32, #tpu.memory_space<vmem>>
          %dma_wait3A_42 = tpu.memref_squeeze %dma_wait3A_41 : memref<1x128xi32, #tpu.memory_space<vmem>> -> memref<128xi32, #tpu.memory_space<vmem>>
          %dma_wait3A_43 = arith.constant 0 : i32
          %dma_wait3A_44 = arith.constant 0 : i32
          %dma_wait3A_45 = tpu.memref_slice %arg7[%dma_wait3A_43, %dma_wait3A_44] : memref<10240x16xf32, #tpu.memory_space<vmem_shared>> -> memref<10240x16xf32, #tpu.memory_space<vmem_shared>>
          tpu.wait_indirect_dma semaphore(%run_scoped3A : memref<!tpu.dma_semaphore, #tpu.memory_space<semaphore_mem>>) src(%dma_wait3A_39 : memref<128x16xf32, #tpu.memory_space<vmem>>) dst(%dma_wait3A_45 : memref<10240x16xf32, #tpu.memory_space<vmem_shared>>)
          tpu.yield
        }) : () -> ()
      }
      %scan3A_24 = arith.constant 16 : i32
    }
    %scan3A_11 = arith.constant 5 : i32
    %barrier3A_12 = arith.constant 0 : index
    tpu.barrier barrier_id(%barrier3A_12)
    "tpu.region"() ({
      %run_scoped3A = tpu.sem_alloc : memref<!tpu.dma_semaphore, #tpu.memory_space<semaphore_mem>>
      %dma_start3A = arith.constant 0 : i32
      %dma_start3A_13 = tpu.memref_slice %arg4[%arg0, %mul3A_2, %dma_start3A] : memref<2x10240x16xf32, #tpu.memory_space<hbm>> -> memref<1x640x16xf32, #tpu.memory_space<hbm>>
      %dma_start3A_14 = tpu.memref_squeeze %dma_start3A_13 : memref<1x640x16xf32, #tpu.memory_space<hbm>> -> memref<640x16xf32, #tpu.memory_space<hbm>>
      %dma_start3A_15 = arith.constant 0 : i32
      %dma_start3A_16 = tpu.memref_slice %arg7[%mul3A_2, %dma_start3A_15] : memref<10240x16xf32, #tpu.memory_space<vmem_shared>> -> memref<640x16xf32, #tpu.memory_space<vmem_shared>>
      tpu.enqueue_dma source(%dma_start3A_16 : memref<640x16xf32, #tpu.memory_space<vmem_shared>>) target(%dma_start3A_14 : memref<640x16xf32, #tpu.memory_space<hbm>>) target_semaphore(%run_scoped3A : memref<!tpu.dma_semaphore, #tpu.memory_space<semaphore_mem>>)
      %dma_wait3A = arith.constant 0 : i32
      %dma_wait3A_17 = tpu.memref_slice %arg4[%arg0, %mul3A_2, %dma_wait3A] : memref<2x10240x16xf32, #tpu.memory_space<hbm>> -> memref<1x640x16xf32, #tpu.memory_space<hbm>>
      %dma_wait3A_18 = tpu.memref_squeeze %dma_wait3A_17 : memref<1x640x16xf32, #tpu.memory_space<hbm>> -> memref<640x16xf32, #tpu.memory_space<hbm>>
      %dma_wait3A_19 = arith.constant 0 : i32
      %dma_wait3A_20 = tpu.memref_slice %arg7[%mul3A_2, %dma_wait3A_19] : memref<10240x16xf32, #tpu.memory_space<vmem_shared>> -> memref<640x16xf32, #tpu.memory_space<vmem_shared>>
      tpu.wait_dma2 semaphore(%run_scoped3A : memref<!tpu.dma_semaphore, #tpu.memory_space<semaphore_mem>>) src(%dma_wait3A_20 : memref<640x16xf32, #tpu.memory_space<vmem_shared>>) dst(%dma_wait3A_18 : memref<640x16xf32, #tpu.memory_space<hbm>>)
      tpu.yield
    }) : () -> ()
    return
  }
}

#map = affine_map<(d0, d1) -> (0, 0)>
#map1 = affine_map<(d0, d1) -> (0, 0, 0)>
module attributes {stable_mosaic.version = 14 : i64} {
  func.func @_sum_body(%arg0: i32, %arg1: i32, %arg2: memref<10112x64xf32, #tpu.memory_space<hbm>>, %arg3: memref<32x80x128xi32, #tpu.memory_space<hbm>>, %arg4: memref<32x80x128xi32, #tpu.memory_space<hbm>>, %arg5: memref<128x128xf32, #tpu.memory_space<hbm>>, %arg6: memref<2x10112x64xf32, #tpu.memory_space<hbm>>, %arg7: memref<16x128xi32, #tpu.memory_space<vmem>>, %arg8: memref<16x128xi32, #tpu.memory_space<vmem>>, %arg9: memref<128x64xf32, #tpu.memory_space<vmem>>, %arg10: memref<128x64xf32, #tpu.memory_space<vmem>>, %arg11: memref<10112x64xf32, #tpu.memory_space<vmem_shared>>, %arg12: memref<!tpu.dma_semaphore, #tpu.memory_space<semaphore_mem>>, %arg13: memref<!tpu.dma_semaphore, #tpu.memory_space<semaphore_mem>>, %arg14: memref<!tpu.dma_semaphore, #tpu.memory_space<semaphore_mem>>, %arg15: memref<!tpu.dma_semaphore, #tpu.memory_space<semaphore_mem>>) attributes {dimension_semantics = [#tpu.dimension_semantics<core_parallel>, #tpu.dimension_semantics<subcore_parallel>], iteration_bounds = array<i64: 2, 16>, scalar_prefetch = 0 : i64, scratch_operands = 9 : i64, tpu.core_type = #tpu.core_type<sc_vector_subcore>, window_params = [{transform_indices = #map}, {transform_indices = #map1}, {transform_indices = #map1}, {transform_indices = #map}, {transform_indices = #map1}]} {
    %mul3A = arith.constant 16 : i32
    %mul3A_0 = arith.muli %arg0, %mul3A : i32
    %add3A = arith.addi %mul3A_0, %arg1 : i32
    %mul3A_1 = arith.constant 632 : i32
    %mul3A_2 = arith.muli %arg1, %mul3A_1 : i32
    %scan3A = arith.constant 0 : i32
    %scan3A_3 = arith.constant 4 : i32
    %scan3A_4 = arith.addi %scan3A, %scan3A_3 : i32
    %scan3A_5 = arith.constant 1 : i32
    scf.for %scan3A_20 = %scan3A to %scan3A_4 step %scan3A_5  : i32 {
      %mul3A_21 = arith.constant 1 : i32
      %mul3A_22 = arith.muli %scan3A_20, %mul3A_21 : i32
      %add3A_23 = arith.constant 0 : i32
      %add3A_24 = arith.addi %add3A_23, %mul3A_22 : i32
      %mul3A_25 = arith.constant 128 : i32
      %mul3A_26 = arith.muli %add3A_24, %mul3A_25 : i32
      %add3A_27 = arith.addi %mul3A_2, %mul3A_26 : i32
      "tpu.region"() ({
        %run_scoped3A = tpu.sem_alloc : memref<!tpu.dma_semaphore, #tpu.memory_space<semaphore_mem>>
        %dma_start3A = arith.constant 0 : i32
        %dma_start3A_31 = tpu.memref_slice %arg2[%add3A_27, %dma_start3A] : memref<10112x64xf32, #tpu.memory_space<hbm>> -> memref<128x64xf32, #tpu.memory_space<hbm>>
        %dma_start3A_32 = arith.constant 0 : i32
        %dma_start3A_33 = tpu.memref_slice %arg2[%add3A_27, %dma_start3A_32] : memref<10112x64xf32, #tpu.memory_space<hbm>> -> memref<128x64xf32, #tpu.memory_space<hbm>>
        tpu.enqueue_dma source(%dma_start3A_33 : memref<128x64xf32, #tpu.memory_space<hbm>>) target(%arg9 : memref<128x64xf32, #tpu.memory_space<vmem>>) target_semaphore(%run_scoped3A : memref<!tpu.dma_semaphore, #tpu.memory_space<semaphore_mem>>)
        %dma_wait3A = arith.constant 0 : i32
        %dma_wait3A_34 = tpu.memref_slice %arg2[%add3A_27, %dma_wait3A] : memref<10112x64xf32, #tpu.memory_space<hbm>> -> memref<128x64xf32, #tpu.memory_space<hbm>>
        %dma_wait3A_35 = arith.constant 0 : i32
        %dma_wait3A_36 = tpu.memref_slice %arg2[%add3A_27, %dma_wait3A_35] : memref<10112x64xf32, #tpu.memory_space<hbm>> -> memref<128x64xf32, #tpu.memory_space<hbm>>
        tpu.wait_dma2 semaphore(%run_scoped3A : memref<!tpu.dma_semaphore, #tpu.memory_space<semaphore_mem>>) src(%dma_wait3A_36 : memref<128x64xf32, #tpu.memory_space<hbm>>) dst(%arg9 : memref<128x64xf32, #tpu.memory_space<vmem>>)
        tpu.yield
      }) : () -> ()
      %mul3A_28 = arith.constant 128 : i32
      %mul3A_29 = arith.muli %add3A_24, %mul3A_28 : i32
      %add3A_30 = arith.addi %mul3A_2, %mul3A_29 : i32
      "tpu.region"() ({
        %run_scoped3A = tpu.sem_alloc : memref<!tpu.dma_semaphore, #tpu.memory_space<semaphore_mem>>
        %dma_start3A = arith.constant 0 : i32
        %dma_start3A_31 = tpu.memref_slice %arg11[%add3A_30, %dma_start3A] : memref<10112x64xf32, #tpu.memory_space<vmem_shared>> -> memref<128x64xf32, #tpu.memory_space<vmem_shared>>
        %dma_start3A_32 = arith.constant 0 : i32
        %dma_start3A_33 = tpu.memref_slice %arg11[%add3A_30, %dma_start3A_32] : memref<10112x64xf32, #tpu.memory_space<vmem_shared>> -> memref<128x64xf32, #tpu.memory_space<vmem_shared>>
        tpu.enqueue_dma source(%arg9 : memref<128x64xf32, #tpu.memory_space<vmem>>) target(%dma_start3A_33 : memref<128x64xf32, #tpu.memory_space<vmem_shared>>) target_semaphore(%run_scoped3A : memref<!tpu.dma_semaphore, #tpu.memory_space<semaphore_mem>>)
        %dma_wait3A = arith.constant 0 : i32
        %dma_wait3A_34 = tpu.memref_slice %arg11[%add3A_30, %dma_wait3A] : memref<10112x64xf32, #tpu.memory_space<vmem_shared>> -> memref<128x64xf32, #tpu.memory_space<vmem_shared>>
        %dma_wait3A_35 = arith.constant 0 : i32
        %dma_wait3A_36 = tpu.memref_slice %arg11[%add3A_30, %dma_wait3A_35] : memref<10112x64xf32, #tpu.memory_space<vmem_shared>> -> memref<128x64xf32, #tpu.memory_space<vmem_shared>>
        tpu.wait_dma2 semaphore(%run_scoped3A : memref<!tpu.dma_semaphore, #tpu.memory_space<semaphore_mem>>) src(%arg9 : memref<128x64xf32, #tpu.memory_space<vmem>>) dst(%dma_wait3A_36 : memref<128x64xf32, #tpu.memory_space<vmem_shared>>)
        tpu.yield
      }) : () -> ()
    }
    %scan3A_6 = arith.constant 4 : i32
    %add3A_7 = arith.constant 632 : i32
    %add3A_8 = arith.addi %mul3A_2, %add3A_7 : i32
    %sub3A = arith.constant 120 : i32
    %sub3A_9 = arith.subi %add3A_8, %sub3A : i32
    "tpu.region"() ({
      %run_scoped3A = tpu.sem_alloc : memref<!tpu.dma_semaphore, #tpu.memory_space<semaphore_mem>>
      %dma_start3A = arith.constant 0 : i32
      %dma_start3A_20 = arith.constant 0 : i32
      %dma_start3A_21 = tpu.memref_slice %arg9[%dma_start3A, %dma_start3A_20] : memref<128x64xf32, #tpu.memory_space<vmem>> -> memref<120x64xf32, #tpu.memory_space<vmem>>
      %dma_start3A_22 = arith.constant 0 : i32
      %dma_start3A_23 = tpu.memref_slice %arg2[%sub3A_9, %dma_start3A_22] : memref<10112x64xf32, #tpu.memory_space<hbm>> -> memref<120x64xf32, #tpu.memory_space<hbm>>
      %dma_start3A_24 = arith.constant 0 : i32
      %dma_start3A_25 = arith.constant 0 : i32
      %dma_start3A_26 = tpu.memref_slice %arg9[%dma_start3A_24, %dma_start3A_25] : memref<128x64xf32, #tpu.memory_space<vmem>> -> memref<120x64xf32, #tpu.memory_space<vmem>>
      %dma_start3A_27 = arith.constant 0 : i32
      %dma_start3A_28 = tpu.memref_slice %arg2[%sub3A_9, %dma_start3A_27] : memref<10112x64xf32, #tpu.memory_space<hbm>> -> memref<120x64xf32, #tpu.memory_space<hbm>>
      tpu.enqueue_dma source(%dma_start3A_28 : memref<120x64xf32, #tpu.memory_space<hbm>>) target(%dma_start3A_26 : memref<120x64xf32, #tpu.memory_space<vmem>>) target_semaphore(%run_scoped3A : memref<!tpu.dma_semaphore, #tpu.memory_space<semaphore_mem>>)
      %dma_wait3A = arith.constant 0 : i32
      %dma_wait3A_29 = arith.constant 0 : i32
      %dma_wait3A_30 = tpu.memref_slice %arg9[%dma_wait3A, %dma_wait3A_29] : memref<128x64xf32, #tpu.memory_space<vmem>> -> memref<120x64xf32, #tpu.memory_space<vmem>>
      %dma_wait3A_31 = arith.constant 0 : i32
      %dma_wait3A_32 = tpu.memref_slice %arg2[%sub3A_9, %dma_wait3A_31] : memref<10112x64xf32, #tpu.memory_space<hbm>> -> memref<120x64xf32, #tpu.memory_space<hbm>>
      %dma_wait3A_33 = arith.constant 0 : i32
      %dma_wait3A_34 = arith.constant 0 : i32
      %dma_wait3A_35 = tpu.memref_slice %arg9[%dma_wait3A_33, %dma_wait3A_34] : memref<128x64xf32, #tpu.memory_space<vmem>> -> memref<120x64xf32, #tpu.memory_space<vmem>>
      %dma_wait3A_36 = arith.constant 0 : i32
      %dma_wait3A_37 = tpu.memref_slice %arg2[%sub3A_9, %dma_wait3A_36] : memref<10112x64xf32, #tpu.memory_space<hbm>> -> memref<120x64xf32, #tpu.memory_space<hbm>>
      tpu.wait_dma2 semaphore(%run_scoped3A : memref<!tpu.dma_semaphore, #tpu.memory_space<semaphore_mem>>) src(%dma_wait3A_37 : memref<120x64xf32, #tpu.memory_space<hbm>>) dst(%dma_wait3A_35 : memref<120x64xf32, #tpu.memory_space<vmem>>)
      tpu.yield
    }) : () -> ()
    %add3A_10 = arith.constant 632 : i32
    %add3A_11 = arith.addi %mul3A_2, %add3A_10 : i32
    %sub3A_12 = arith.constant 120 : i32
    %sub3A_13 = arith.subi %add3A_11, %sub3A_12 : i32
    "tpu.region"() ({
      %run_scoped3A = tpu.sem_alloc : memref<!tpu.dma_semaphore, #tpu.memory_space<semaphore_mem>>
      %dma_start3A = arith.constant 0 : i32
      %dma_start3A_20 = arith.constant 0 : i32
      %dma_start3A_21 = tpu.memref_slice %arg9[%dma_start3A, %dma_start3A_20] : memref<128x64xf32, #tpu.memory_space<vmem>> -> memref<120x64xf32, #tpu.memory_space<vmem>>
      %dma_start3A_22 = arith.constant 0 : i32
      %dma_start3A_23 = tpu.memref_slice %arg11[%sub3A_13, %dma_start3A_22] : memref<10112x64xf32, #tpu.memory_space<vmem_shared>> -> memref<120x64xf32, #tpu.memory_space<vmem_shared>>
      %dma_start3A_24 = arith.constant 0 : i32
      %dma_start3A_25 = tpu.memref_slice %arg11[%sub3A_13, %dma_start3A_24] : memref<10112x64xf32, #tpu.memory_space<vmem_shared>> -> memref<120x64xf32, #tpu.memory_space<vmem_shared>>
      %dma_start3A_26 = arith.constant 0 : i32
      %dma_start3A_27 = arith.constant 0 : i32
      %dma_start3A_28 = tpu.memref_slice %arg9[%dma_start3A_26, %dma_start3A_27] : memref<128x64xf32, #tpu.memory_space<vmem>> -> memref<120x64xf32, #tpu.memory_space<vmem>>
      tpu.enqueue_dma source(%dma_start3A_28 : memref<120x64xf32, #tpu.memory_space<vmem>>) target(%dma_start3A_25 : memref<120x64xf32, #tpu.memory_space<vmem_shared>>) target_semaphore(%run_scoped3A : memref<!tpu.dma_semaphore, #tpu.memory_space<semaphore_mem>>)
      %dma_wait3A = arith.constant 0 : i32
      %dma_wait3A_29 = arith.constant 0 : i32
      %dma_wait3A_30 = tpu.memref_slice %arg9[%dma_wait3A, %dma_wait3A_29] : memref<128x64xf32, #tpu.memory_space<vmem>> -> memref<120x64xf32, #tpu.memory_space<vmem>>
      %dma_wait3A_31 = arith.constant 0 : i32
      %dma_wait3A_32 = tpu.memref_slice %arg11[%sub3A_13, %dma_wait3A_31] : memref<10112x64xf32, #tpu.memory_space<vmem_shared>> -> memref<120x64xf32, #tpu.memory_space<vmem_shared>>
      %dma_wait3A_33 = arith.constant 0 : i32
      %dma_wait3A_34 = tpu.memref_slice %arg11[%sub3A_13, %dma_wait3A_33] : memref<10112x64xf32, #tpu.memory_space<vmem_shared>> -> memref<120x64xf32, #tpu.memory_space<vmem_shared>>
      %dma_wait3A_35 = arith.constant 0 : i32
      %dma_wait3A_36 = arith.constant 0 : i32
      %dma_wait3A_37 = tpu.memref_slice %arg9[%dma_wait3A_35, %dma_wait3A_36] : memref<128x64xf32, #tpu.memory_space<vmem>> -> memref<120x64xf32, #tpu.memory_space<vmem>>
      tpu.wait_dma2 semaphore(%run_scoped3A : memref<!tpu.dma_semaphore, #tpu.memory_space<semaphore_mem>>) src(%dma_wait3A_37 : memref<120x64xf32, #tpu.memory_space<vmem>>) dst(%dma_wait3A_34 : memref<120x64xf32, #tpu.memory_space<vmem_shared>>)
      tpu.yield
    }) : () -> ()
    %barrier3A = arith.constant 0 : index
    tpu.barrier barrier_id(%barrier3A)
    %scan3A_14 = arith.constant 0 : i32
    %scan3A_15 = arith.constant 5 : i32
    %scan3A_16 = arith.addi %scan3A_14, %scan3A_15 : i32
    %scan3A_17 = arith.constant 1 : i32
    scf.for %scan3A_20 = %scan3A_14 to %scan3A_16 step %scan3A_17  : i32 {
      %mul3A_21 = arith.constant 1 : i32
      %mul3A_22 = arith.muli %scan3A_20, %mul3A_21 : i32
      %add3A_23 = arith.constant 0 : i32
      %add3A_24 = arith.addi %add3A_23, %mul3A_22 : i32
      %mul3A_25 = arith.constant 16 : i32
      %mul3A_26 = arith.muli %add3A_24, %mul3A_25 : i32
      "tpu.region"() ({
        %run_scoped3A = tpu.sem_alloc : memref<!tpu.dma_semaphore, #tpu.memory_space<semaphore_mem>>
        %dma_start3A_60 = arith.constant 0 : i32
        %dma_start3A_61 = tpu.memref_slice %arg3[%add3A, %mul3A_26, %dma_start3A_60] : memref<32x80x128xi32, #tpu.memory_space<hbm>> -> memref<1x16x128xi32, #tpu.memory_space<hbm>>
        %dma_start3A_62 = tpu.memref_squeeze %dma_start3A_61 : memref<1x16x128xi32, #tpu.memory_space<hbm>> -> memref<16x128xi32, #tpu.memory_space<hbm>>
        %dma_start3A_63 = arith.constant 0 : i32
        %dma_start3A_64 = tpu.memref_slice %arg3[%add3A, %mul3A_26, %dma_start3A_63] : memref<32x80x128xi32, #tpu.memory_space<hbm>> -> memref<1x16x128xi32, #tpu.memory_space<hbm>>
        %dma_start3A_65 = tpu.memref_squeeze %dma_start3A_64 : memref<1x16x128xi32, #tpu.memory_space<hbm>> -> memref<16x128xi32, #tpu.memory_space<hbm>>
        tpu.enqueue_dma source(%dma_start3A_65 : memref<16x128xi32, #tpu.memory_space<hbm>>) target(%arg7 : memref<16x128xi32, #tpu.memory_space<vmem>>) target_semaphore(%run_scoped3A : memref<!tpu.dma_semaphore, #tpu.memory_space<semaphore_mem>>)
        %dma_wait3A_66 = arith.constant 0 : i32
        %dma_wait3A_67 = tpu.memref_slice %arg3[%add3A, %mul3A_26, %dma_wait3A_66] : memref<32x80x128xi32, #tpu.memory_space<hbm>> -> memref<1x16x128xi32, #tpu.memory_space<hbm>>
        %dma_wait3A_68 = tpu.memref_squeeze %dma_wait3A_67 : memref<1x16x128xi32, #tpu.memory_space<hbm>> -> memref<16x128xi32, #tpu.memory_space<hbm>>
        %dma_wait3A_69 = arith.constant 0 : i32
        %dma_wait3A_70 = tpu.memref_slice %arg3[%add3A, %mul3A_26, %dma_wait3A_69] : memref<32x80x128xi32, #tpu.memory_space<hbm>> -> memref<1x16x128xi32, #tpu.memory_space<hbm>>
        %dma_wait3A_71 = tpu.memref_squeeze %dma_wait3A_70 : memref<1x16x128xi32, #tpu.memory_space<hbm>> -> memref<16x128xi32, #tpu.memory_space<hbm>>
        tpu.wait_dma2 semaphore(%run_scoped3A : memref<!tpu.dma_semaphore, #tpu.memory_space<semaphore_mem>>) src(%dma_wait3A_71 : memref<16x128xi32, #tpu.memory_space<hbm>>) dst(%arg7 : memref<16x128xi32, #tpu.memory_space<vmem>>)
        tpu.yield
      }) : () -> ()
      %mul3A_27 = arith.constant 16 : i32
      %mul3A_28 = arith.muli %add3A_24, %mul3A_27 : i32
      "tpu.region"() ({
        %run_scoped3A = tpu.sem_alloc : memref<!tpu.dma_semaphore, #tpu.memory_space<semaphore_mem>>
        %dma_start3A_60 = arith.constant 0 : i32
        %dma_start3A_61 = tpu.memref_slice %arg4[%add3A, %mul3A_28, %dma_start3A_60] : memref<32x80x128xi32, #tpu.memory_space<hbm>> -> memref<1x16x128xi32, #tpu.memory_space<hbm>>
        %dma_start3A_62 = tpu.memref_squeeze %dma_start3A_61 : memref<1x16x128xi32, #tpu.memory_space<hbm>> -> memref<16x128xi32, #tpu.memory_space<hbm>>
        %dma_start3A_63 = arith.constant 0 : i32
        %dma_start3A_64 = tpu.memref_slice %arg4[%add3A, %mul3A_28, %dma_start3A_63] : memref<32x80x128xi32, #tpu.memory_space<hbm>> -> memref<1x16x128xi32, #tpu.memory_space<hbm>>
        %dma_start3A_65 = tpu.memref_squeeze %dma_start3A_64 : memref<1x16x128xi32, #tpu.memory_space<hbm>> -> memref<16x128xi32, #tpu.memory_space<hbm>>
        tpu.enqueue_dma source(%dma_start3A_65 : memref<16x128xi32, #tpu.memory_space<hbm>>) target(%arg8 : memref<16x128xi32, #tpu.memory_space<vmem>>) target_semaphore(%run_scoped3A : memref<!tpu.dma_semaphore, #tpu.memory_space<semaphore_mem>>)
        %dma_wait3A_66 = arith.constant 0 : i32
        %dma_wait3A_67 = tpu.memref_slice %arg4[%add3A, %mul3A_28, %dma_wait3A_66] : memref<32x80x128xi32, #tpu.memory_space<hbm>> -> memref<1x16x128xi32, #tpu.memory_space<hbm>>
        %dma_wait3A_68 = tpu.memref_squeeze %dma_wait3A_67 : memref<1x16x128xi32, #tpu.memory_space<hbm>> -> memref<16x128xi32, #tpu.memory_space<hbm>>
        %dma_wait3A_69 = arith.constant 0 : i32
        %dma_wait3A_70 = tpu.memref_slice %arg4[%add3A, %mul3A_28, %dma_wait3A_69] : memref<32x80x128xi32, #tpu.memory_space<hbm>> -> memref<1x16x128xi32, #tpu.memory_space<hbm>>
        %dma_wait3A_71 = tpu.memref_squeeze %dma_wait3A_70 : memref<1x16x128xi32, #tpu.memory_space<hbm>> -> memref<16x128xi32, #tpu.memory_space<hbm>>
        tpu.wait_dma2 semaphore(%run_scoped3A : memref<!tpu.dma_semaphore, #tpu.memory_space<semaphore_mem>>) src(%dma_wait3A_71 : memref<16x128xi32, #tpu.memory_space<hbm>>) dst(%arg8 : memref<16x128xi32, #tpu.memory_space<vmem>>)
        tpu.yield
      }) : () -> ()
      %dma_start3A = arith.constant 0 : i32
      %dma_start3A_29 = arith.constant 0 : i32
      %dma_start3A_30 = tpu.memref_slice %arg7[%dma_start3A, %dma_start3A_29] : memref<16x128xi32, #tpu.memory_space<vmem>> -> memref<1x128xi32, #tpu.memory_space<vmem>>
      %dma_start3A_31 = tpu.memref_squeeze %dma_start3A_30 : memref<1x128xi32, #tpu.memory_space<vmem>> -> memref<128xi32, #tpu.memory_space<vmem>>
      %dma_start3A_32 = arith.constant 0 : i32
      %dma_start3A_33 = arith.constant 0 : i32
      %dma_start3A_34 = tpu.memref_slice %arg11[%dma_start3A_32, %dma_start3A_33] : memref<10112x64xf32, #tpu.memory_space<vmem_shared>> -> memref<10112x64xf32, #tpu.memory_space<vmem_shared>>
      tpu.enqueue_indirect_dma source(%dma_start3A_34 : memref<10112x64xf32, #tpu.memory_space<vmem_shared>>) target(%arg9 : memref<128x64xf32, #tpu.memory_space<vmem>>) offsets(%dma_start3A_31 : memref<128xi32, #tpu.memory_space<vmem>>) semaphore(%arg12 : memref<!tpu.dma_semaphore, #tpu.memory_space<semaphore_mem>>)
      %dma_start3A_35 = arith.constant 1 : i32
      %dma_start3A_36 = arith.constant 0 : i32
      %dma_start3A_37 = tpu.memref_slice %arg7[%dma_start3A_35, %dma_start3A_36] : memref<16x128xi32, #tpu.memory_space<vmem>> -> memref<1x128xi32, #tpu.memory_space<vmem>>
      %dma_start3A_38 = tpu.memref_squeeze %dma_start3A_37 : memref<1x128xi32, #tpu.memory_space<vmem>> -> memref<128xi32, #tpu.memory_space<vmem>>
      %dma_start3A_39 = arith.constant 0 : i32
      %dma_start3A_40 = arith.constant 0 : i32
      %dma_start3A_41 = tpu.memref_slice %arg11[%dma_start3A_39, %dma_start3A_40] : memref<10112x64xf32, #tpu.memory_space<vmem_shared>> -> memref<10112x64xf32, #tpu.memory_space<vmem_shared>>
      tpu.enqueue_indirect_dma source(%dma_start3A_41 : memref<10112x64xf32, #tpu.memory_space<vmem_shared>>) target(%arg10 : memref<128x64xf32, #tpu.memory_space<vmem>>) offsets(%dma_start3A_38 : memref<128xi32, #tpu.memory_space<vmem>>) semaphore(%arg13 : memref<!tpu.dma_semaphore, #tpu.memory_space<semaphore_mem>>)
      %scan3A_42 = arith.constant 0 : i32
      %scan3A_43 = arith.constant 7 : i32
      %scan3A_44 = arith.addi %scan3A_42, %scan3A_43 : i32
      %scan3A_45 = arith.constant 1 : i32
      scf.for %scan3A_60 = %scan3A_42 to %scan3A_44 step %scan3A_45  : i32 {
        %mul3A_61 = arith.constant 1 : i32
        %mul3A_62 = arith.muli %scan3A_60, %mul3A_61 : i32
        %add3A_63 = arith.constant 0 : i32
        %add3A_64 = arith.addi %add3A_63, %mul3A_62 : i32
        %mul3A_65 = arith.constant 2 : i32
        %mul3A_66 = arith.muli %mul3A_65, %add3A_64 : i32
        %add3A_67 = arith.constant 0 : i32
        %add3A_68 = arith.addi %mul3A_66, %add3A_67 : i32
        %dma_wait3A_69 = arith.constant 0 : i32
        %dma_wait3A_70 = tpu.memref_slice %arg7[%add3A_68, %dma_wait3A_69] : memref<16x128xi32, #tpu.memory_space<vmem>> -> memref<1x128xi32, #tpu.memory_space<vmem>>
        %dma_wait3A_71 = tpu.memref_squeeze %dma_wait3A_70 : memref<1x128xi32, #tpu.memory_space<vmem>> -> memref<128xi32, #tpu.memory_space<vmem>>
        %dma_wait3A_72 = arith.constant 0 : i32
        %dma_wait3A_73 = arith.constant 0 : i32
        %dma_wait3A_74 = tpu.memref_slice %arg11[%dma_wait3A_72, %dma_wait3A_73] : memref<10112x64xf32, #tpu.memory_space<vmem_shared>> -> memref<10112x64xf32, #tpu.memory_space<vmem_shared>>
        tpu.wait_indirect_dma semaphore(%arg12 : memref<!tpu.dma_semaphore, #tpu.memory_space<semaphore_mem>>) src(%dma_wait3A_74 : memref<10112x64xf32, #tpu.memory_space<vmem_shared>>) dst(%arg9 : memref<128x64xf32, #tpu.memory_space<vmem>>)
        %add3A_75 = arith.constant 0 : i32
        %add3A_76 = arith.addi %mul3A_66, %add3A_75 : i32
        %add3A_77 = arith.constant 1 : i32
        %add3A_78 = arith.addi %mul3A_66, %add3A_77 : i32
        %dma_wait3A_79 = arith.constant 0 : i32
        %dma_wait3A_80 = tpu.memref_slice %arg7[%add3A_78, %dma_wait3A_79] : memref<16x128xi32, #tpu.memory_space<vmem>> -> memref<1x128xi32, #tpu.memory_space<vmem>>
        %dma_wait3A_81 = tpu.memref_squeeze %dma_wait3A_80 : memref<1x128xi32, #tpu.memory_space<vmem>> -> memref<128xi32, #tpu.memory_space<vmem>>
        %dma_wait3A_82 = arith.constant 0 : i32
        %dma_wait3A_83 = arith.constant 0 : i32
        %dma_wait3A_84 = tpu.memref_slice %arg11[%dma_wait3A_82, %dma_wait3A_83] : memref<10112x64xf32, #tpu.memory_space<vmem_shared>> -> memref<10112x64xf32, #tpu.memory_space<vmem_shared>>
        tpu.wait_indirect_dma semaphore(%arg13 : memref<!tpu.dma_semaphore, #tpu.memory_space<semaphore_mem>>) src(%dma_wait3A_84 : memref<10112x64xf32, #tpu.memory_space<vmem_shared>>) dst(%arg10 : memref<128x64xf32, #tpu.memory_space<vmem>>)
        %add3A_85 = arith.constant 1 : i32
        %add3A_86 = arith.addi %mul3A_66, %add3A_85 : i32
        %add3A_87 = arith.constant 0 : i32
        %add3A_88 = arith.addi %mul3A_66, %add3A_87 : i32
        %add3A_89 = arith.constant 0 : i32
        %add3A_90 = arith.addi %mul3A_66, %add3A_89 : i32
        %add3A_91 = arith.constant 2 : i32
        %add3A_92 = arith.addi %add3A_90, %add3A_91 : i32
        %dma_start3A_93 = arith.constant 0 : i32
        %dma_start3A_94 = tpu.memref_slice %arg7[%add3A_92, %dma_start3A_93] : memref<16x128xi32, #tpu.memory_space<vmem>> -> memref<1x128xi32, #tpu.memory_space<vmem>>
        %dma_start3A_95 = tpu.memref_squeeze %dma_start3A_94 : memref<1x128xi32, #tpu.memory_space<vmem>> -> memref<128xi32, #tpu.memory_space<vmem>>
        %dma_start3A_96 = arith.constant 0 : i32
        %dma_start3A_97 = arith.constant 0 : i32
        %dma_start3A_98 = tpu.memref_slice %arg11[%dma_start3A_96, %dma_start3A_97] : memref<10112x64xf32, #tpu.memory_space<vmem_shared>> -> memref<10112x64xf32, #tpu.memory_space<vmem_shared>>
        tpu.enqueue_indirect_dma source(%dma_start3A_98 : memref<10112x64xf32, #tpu.memory_space<vmem_shared>>) target(%arg9 : memref<128x64xf32, #tpu.memory_space<vmem>>) offsets(%dma_start3A_95 : memref<128xi32, #tpu.memory_space<vmem>>) semaphore(%arg12 : memref<!tpu.dma_semaphore, #tpu.memory_space<semaphore_mem>>)
        %add3A_99 = arith.constant 1 : i32
        %add3A_100 = arith.addi %mul3A_66, %add3A_99 : i32
        %add3A_101 = arith.constant 1 : i32
        %add3A_102 = arith.addi %mul3A_66, %add3A_101 : i32
        %add3A_103 = arith.constant 2 : i32
        %add3A_104 = arith.addi %add3A_102, %add3A_103 : i32
        %dma_start3A_105 = arith.constant 0 : i32
        %dma_start3A_106 = tpu.memref_slice %arg7[%add3A_104, %dma_start3A_105] : memref<16x128xi32, #tpu.memory_space<vmem>> -> memref<1x128xi32, #tpu.memory_space<vmem>>
        %dma_start3A_107 = tpu.memref_squeeze %dma_start3A_106 : memref<1x128xi32, #tpu.memory_space<vmem>> -> memref<128xi32, #tpu.memory_space<vmem>>
        %dma_start3A_108 = arith.constant 0 : i32
        %dma_start3A_109 = arith.constant 0 : i32
        %dma_start3A_110 = tpu.memref_slice %arg11[%dma_start3A_108, %dma_start3A_109] : memref<10112x64xf32, #tpu.memory_space<vmem_shared>> -> memref<10112x64xf32, #tpu.memory_space<vmem_shared>>
        tpu.enqueue_indirect_dma source(%dma_start3A_110 : memref<10112x64xf32, #tpu.memory_space<vmem_shared>>) target(%arg10 : memref<128x64xf32, #tpu.memory_space<vmem>>) offsets(%dma_start3A_107 : memref<128xi32, #tpu.memory_space<vmem>>) semaphore(%arg13 : memref<!tpu.dma_semaphore, #tpu.memory_space<semaphore_mem>>)
      }
      %scan3A_46 = arith.constant 7 : i32
      %dma_wait3A = arith.constant 14 : i32
      %dma_wait3A_47 = arith.constant 0 : i32
      %dma_wait3A_48 = tpu.memref_slice %arg7[%dma_wait3A, %dma_wait3A_47] : memref<16x128xi32, #tpu.memory_space<vmem>> -> memref<1x128xi32, #tpu.memory_space<vmem>>
      %dma_wait3A_49 = tpu.memref_squeeze %dma_wait3A_48 : memref<1x128xi32, #tpu.memory_space<vmem>> -> memref<128xi32, #tpu.memory_space<vmem>>
      %dma_wait3A_50 = arith.constant 0 : i32
      %dma_wait3A_51 = arith.constant 0 : i32
      %dma_wait3A_52 = tpu.memref_slice %arg11[%dma_wait3A_50, %dma_wait3A_51] : memref<10112x64xf32, #tpu.memory_space<vmem_shared>> -> memref<10112x64xf32, #tpu.memory_space<vmem_shared>>
      tpu.wait_indirect_dma semaphore(%arg12 : memref<!tpu.dma_semaphore, #tpu.memory_space<semaphore_mem>>) src(%dma_wait3A_52 : memref<10112x64xf32, #tpu.memory_space<vmem_shared>>) dst(%arg9 : memref<128x64xf32, #tpu.memory_space<vmem>>)
      %dma_wait3A_53 = arith.constant 15 : i32
      %dma_wait3A_54 = arith.constant 0 : i32
      %dma_wait3A_55 = tpu.memref_slice %arg7[%dma_wait3A_53, %dma_wait3A_54] : memref<16x128xi32, #tpu.memory_space<vmem>> -> memref<1x128xi32, #tpu.memory_space<vmem>>
      %dma_wait3A_56 = tpu.memref_squeeze %dma_wait3A_55 : memref<1x128xi32, #tpu.memory_space<vmem>> -> memref<128xi32, #tpu.memory_space<vmem>>
      %dma_wait3A_57 = arith.constant 0 : i32
      %dma_wait3A_58 = arith.constant 0 : i32
      %dma_wait3A_59 = tpu.memref_slice %arg11[%dma_wait3A_57, %dma_wait3A_58] : memref<10112x64xf32, #tpu.memory_space<vmem_shared>> -> memref<10112x64xf32, #tpu.memory_space<vmem_shared>>
      tpu.wait_indirect_dma semaphore(%arg13 : memref<!tpu.dma_semaphore, #tpu.memory_space<semaphore_mem>>) src(%dma_wait3A_59 : memref<10112x64xf32, #tpu.memory_space<vmem_shared>>) dst(%arg10 : memref<128x64xf32, #tpu.memory_space<vmem>>)
    }
    %scan3A_18 = arith.constant 5 : i32
    %barrier3A_19 = arith.constant 0 : index
    tpu.barrier barrier_id(%barrier3A_19)
    "tpu.region"() ({
      %run_scoped3A = tpu.sem_alloc : memref<!tpu.dma_semaphore, #tpu.memory_space<semaphore_mem>>
      %dma_start3A = arith.constant 0 : i32
      %dma_start3A_20 = tpu.memref_slice %arg6[%arg0, %mul3A_2, %dma_start3A] : memref<2x10112x64xf32, #tpu.memory_space<hbm>> -> memref<1x632x64xf32, #tpu.memory_space<hbm>>
      %dma_start3A_21 = tpu.memref_squeeze %dma_start3A_20 : memref<1x632x64xf32, #tpu.memory_space<hbm>> -> memref<632x64xf32, #tpu.memory_space<hbm>>
      %dma_start3A_22 = arith.constant 0 : i32
      %dma_start3A_23 = tpu.memref_slice %arg11[%mul3A_2, %dma_start3A_22] : memref<10112x64xf32, #tpu.memory_space<vmem_shared>> -> memref<632x64xf32, #tpu.memory_space<vmem_shared>>
      tpu.enqueue_dma source(%dma_start3A_23 : memref<632x64xf32, #tpu.memory_space<vmem_shared>>) target(%dma_start3A_21 : memref<632x64xf32, #tpu.memory_space<hbm>>) target_semaphore(%run_scoped3A : memref<!tpu.dma_semaphore, #tpu.memory_space<semaphore_mem>>)
      %dma_wait3A = arith.constant 0 : i32
      %dma_wait3A_24 = tpu.memref_slice %arg6[%arg0, %mul3A_2, %dma_wait3A] : memref<2x10112x64xf32, #tpu.memory_space<hbm>> -> memref<1x632x64xf32, #tpu.memory_space<hbm>>
      %dma_wait3A_25 = tpu.memref_squeeze %dma_wait3A_24 : memref<1x632x64xf32, #tpu.memory_space<hbm>> -> memref<632x64xf32, #tpu.memory_space<hbm>>
      %dma_wait3A_26 = arith.constant 0 : i32
      %dma_wait3A_27 = tpu.memref_slice %arg11[%mul3A_2, %dma_wait3A_26] : memref<10112x64xf32, #tpu.memory_space<vmem_shared>> -> memref<632x64xf32, #tpu.memory_space<vmem_shared>>
      tpu.wait_dma2 semaphore(%run_scoped3A : memref<!tpu.dma_semaphore, #tpu.memory_space<semaphore_mem>>) src(%dma_wait3A_27 : memref<632x64xf32, #tpu.memory_space<vmem_shared>>) dst(%dma_wait3A_25 : memref<632x64xf32, #tpu.memory_space<hbm>>)
      tpu.yield
    }) : () -> ()
    return
  }
}

#map = affine_map<(d0, d1) -> (0, 0)>
#map1 = affine_map<(d0, d1) -> (0, 0, 0)>
module attributes {stable_mosaic.version = 14 : i64} {
  func.func @_sum_body(%arg0: i32, %arg1: i32, %arg2: memref<10112x64xf32, #tpu.memory_space<hbm>>, %arg3: memref<32x80x128xi32, #tpu.memory_space<hbm>>, %arg4: memref<32x80x128xi32, #tpu.memory_space<hbm>>, %arg5: memref<128x128xf32, #tpu.memory_space<hbm>>, %arg6: memref<2x10112x64xf32, #tpu.memory_space<hbm>>, %arg7: memref<16x128xi32, #tpu.memory_space<vmem>>, %arg8: memref<16x128xi32, #tpu.memory_space<vmem>>, %arg9: memref<128x64xf32, #tpu.memory_space<vmem>>, %arg10: memref<128x64xf32, #tpu.memory_space<vmem>>, %arg11: memref<10112x64xf32, #tpu.memory_space<vmem_shared>>, %arg12: memref<!tpu.dma_semaphore, #tpu.memory_space<semaphore_mem>>, %arg13: memref<!tpu.dma_semaphore, #tpu.memory_space<semaphore_mem>>, %arg14: memref<!tpu.dma_semaphore, #tpu.memory_space<semaphore_mem>>, %arg15: memref<!tpu.dma_semaphore, #tpu.memory_space<semaphore_mem>>) attributes {dimension_semantics = [#tpu.dimension_semantics<core_parallel>, #tpu.dimension_semantics<subcore_parallel>], iteration_bounds = array<i64: 2, 16>, scalar_prefetch = 0 : i64, scratch_operands = 9 : i64, tpu.core_type = #tpu.core_type<sc_vector_subcore>, window_params = [{transform_indices = #map}, {transform_indices = #map1}, {transform_indices = #map1}, {transform_indices = #map}, {transform_indices = #map1}]} {
    %mul3A = arith.constant 16 : i32
    %mul3A_0 = arith.muli %arg0, %mul3A : i32
    %add3A = arith.addi %mul3A_0, %arg1 : i32
    %mul3A_1 = arith.constant 632 : i32
    %mul3A_2 = arith.muli %arg1, %mul3A_1 : i32
    %scan3A = arith.constant 0 : i32
    %scan3A_3 = arith.constant 4 : i32
    %scan3A_4 = arith.addi %scan3A, %scan3A_3 : i32
    %scan3A_5 = arith.constant 1 : i32
    scf.for %scan3A_20 = %scan3A to %scan3A_4 step %scan3A_5  : i32 {
      %mul3A_21 = arith.constant 1 : i32
      %mul3A_22 = arith.muli %scan3A_20, %mul3A_21 : i32
      %add3A_23 = arith.constant 0 : i32
      %add3A_24 = arith.addi %add3A_23, %mul3A_22 : i32
      %mul3A_25 = arith.constant 128 : i32
      %mul3A_26 = arith.muli %add3A_24, %mul3A_25 : i32
      %add3A_27 = arith.addi %mul3A_2, %mul3A_26 : i32
      "tpu.region"() ({
        %run_scoped3A = tpu.sem_alloc : memref<!tpu.dma_semaphore, #tpu.memory_space<semaphore_mem>>
        %dma_start3A = arith.constant 0 : i32
        %dma_start3A_31 = tpu.memref_slice %arg2[%add3A_27, %dma_start3A] : memref<10112x64xf32, #tpu.memory_space<hbm>> -> memref<128x64xf32, #tpu.memory_space<hbm>>
        %dma_start3A_32 = arith.constant 0 : i32
        %dma_start3A_33 = tpu.memref_slice %arg2[%add3A_27, %dma_start3A_32] : memref<10112x64xf32, #tpu.memory_space<hbm>> -> memref<128x64xf32, #tpu.memory_space<hbm>>
        tpu.enqueue_dma source(%dma_start3A_33 : memref<128x64xf32, #tpu.memory_space<hbm>>) target(%arg9 : memref<128x64xf32, #tpu.memory_space<vmem>>) target_semaphore(%run_scoped3A : memref<!tpu.dma_semaphore, #tpu.memory_space<semaphore_mem>>)
        %dma_wait3A = arith.constant 0 : i32
        %dma_wait3A_34 = tpu.memref_slice %arg2[%add3A_27, %dma_wait3A] : memref<10112x64xf32, #tpu.memory_space<hbm>> -> memref<128x64xf32, #tpu.memory_space<hbm>>
        %dma_wait3A_35 = arith.constant 0 : i32
        %dma_wait3A_36 = tpu.memref_slice %arg2[%add3A_27, %dma_wait3A_35] : memref<10112x64xf32, #tpu.memory_space<hbm>> -> memref<128x64xf32, #tpu.memory_space<hbm>>
        tpu.wait_dma2 semaphore(%run_scoped3A : memref<!tpu.dma_semaphore, #tpu.memory_space<semaphore_mem>>) src(%dma_wait3A_36 : memref<128x64xf32, #tpu.memory_space<hbm>>) dst(%arg9 : memref<128x64xf32, #tpu.memory_space<vmem>>)
        tpu.yield
      }) : () -> ()
      %mul3A_28 = arith.constant 128 : i32
      %mul3A_29 = arith.muli %add3A_24, %mul3A_28 : i32
      %add3A_30 = arith.addi %mul3A_2, %mul3A_29 : i32
      "tpu.region"() ({
        %run_scoped3A = tpu.sem_alloc : memref<!tpu.dma_semaphore, #tpu.memory_space<semaphore_mem>>
        %dma_start3A = arith.constant 0 : i32
        %dma_start3A_31 = tpu.memref_slice %arg11[%add3A_30, %dma_start3A] : memref<10112x64xf32, #tpu.memory_space<vmem_shared>> -> memref<128x64xf32, #tpu.memory_space<vmem_shared>>
        %dma_start3A_32 = arith.constant 0 : i32
        %dma_start3A_33 = tpu.memref_slice %arg11[%add3A_30, %dma_start3A_32] : memref<10112x64xf32, #tpu.memory_space<vmem_shared>> -> memref<128x64xf32, #tpu.memory_space<vmem_shared>>
        tpu.enqueue_dma source(%arg9 : memref<128x64xf32, #tpu.memory_space<vmem>>) target(%dma_start3A_33 : memref<128x64xf32, #tpu.memory_space<vmem_shared>>) target_semaphore(%run_scoped3A : memref<!tpu.dma_semaphore, #tpu.memory_space<semaphore_mem>>)
        %dma_wait3A = arith.constant 0 : i32
        %dma_wait3A_34 = tpu.memref_slice %arg11[%add3A_30, %dma_wait3A] : memref<10112x64xf32, #tpu.memory_space<vmem_shared>> -> memref<128x64xf32, #tpu.memory_space<vmem_shared>>
        %dma_wait3A_35 = arith.constant 0 : i32
        %dma_wait3A_36 = tpu.memref_slice %arg11[%add3A_30, %dma_wait3A_35] : memref<10112x64xf32, #tpu.memory_space<vmem_shared>> -> memref<128x64xf32, #tpu.memory_space<vmem_shared>>
        tpu.wait_dma2 semaphore(%run_scoped3A : memref<!tpu.dma_semaphore, #tpu.memory_space<semaphore_mem>>) src(%arg9 : memref<128x64xf32, #tpu.memory_space<vmem>>) dst(%dma_wait3A_36 : memref<128x64xf32, #tpu.memory_space<vmem_shared>>)
        tpu.yield
      }) : () -> ()
    }
    %scan3A_6 = arith.constant 4 : i32
    %add3A_7 = arith.constant 632 : i32
    %add3A_8 = arith.addi %mul3A_2, %add3A_7 : i32
    %sub3A = arith.constant 120 : i32
    %sub3A_9 = arith.subi %add3A_8, %sub3A : i32
    "tpu.region"() ({
      %run_scoped3A = tpu.sem_alloc : memref<!tpu.dma_semaphore, #tpu.memory_space<semaphore_mem>>
      %dma_start3A = arith.constant 0 : i32
      %dma_start3A_20 = arith.constant 0 : i32
      %dma_start3A_21 = tpu.memref_slice %arg9[%dma_start3A, %dma_start3A_20] : memref<128x64xf32, #tpu.memory_space<vmem>> -> memref<120x64xf32, #tpu.memory_space<vmem>>
      %dma_start3A_22 = arith.constant 0 : i32
      %dma_start3A_23 = tpu.memref_slice %arg2[%sub3A_9, %dma_start3A_22] : memref<10112x64xf32, #tpu.memory_space<hbm>> -> memref<120x64xf32, #tpu.memory_space<hbm>>
      %dma_start3A_24 = arith.constant 0 : i32
      %dma_start3A_25 = arith.constant 0 : i32
      %dma_start3A_26 = tpu.memref_slice %arg9[%dma_start3A_24, %dma_start3A_25] : memref<128x64xf32, #tpu.memory_space<vmem>> -> memref<120x64xf32, #tpu.memory_space<vmem>>
      %dma_start3A_27 = arith.constant 0 : i32
      %dma_start3A_28 = tpu.memref_slice %arg2[%sub3A_9, %dma_start3A_27] : memref<10112x64xf32, #tpu.memory_space<hbm>> -> memref<120x64xf32, #tpu.memory_space<hbm>>
      tpu.enqueue_dma source(%dma_start3A_28 : memref<120x64xf32, #tpu.memory_space<hbm>>) target(%dma_start3A_26 : memref<120x64xf32, #tpu.memory_space<vmem>>) target_semaphore(%run_scoped3A : memref<!tpu.dma_semaphore, #tpu.memory_space<semaphore_mem>>)
      %dma_wait3A = arith.constant 0 : i32
      %dma_wait3A_29 = arith.constant 0 : i32
      %dma_wait3A_30 = tpu.memref_slice %arg9[%dma_wait3A, %dma_wait3A_29] : memref<128x64xf32, #tpu.memory_space<vmem>> -> memref<120x64xf32, #tpu.memory_space<vmem>>
      %dma_wait3A_31 = arith.constant 0 : i32
      %dma_wait3A_32 = tpu.memref_slice %arg2[%sub3A_9, %dma_wait3A_31] : memref<10112x64xf32, #tpu.memory_space<hbm>> -> memref<120x64xf32, #tpu.memory_space<hbm>>
      %dma_wait3A_33 = arith.constant 0 : i32
      %dma_wait3A_34 = arith.constant 0 : i32
      %dma_wait3A_35 = tpu.memref_slice %arg9[%dma_wait3A_33, %dma_wait3A_34] : memref<128x64xf32, #tpu.memory_space<vmem>> -> memref<120x64xf32, #tpu.memory_space<vmem>>
      %dma_wait3A_36 = arith.constant 0 : i32
      %dma_wait3A_37 = tpu.memref_slice %arg2[%sub3A_9, %dma_wait3A_36] : memref<10112x64xf32, #tpu.memory_space<hbm>> -> memref<120x64xf32, #tpu.memory_space<hbm>>
      tpu.wait_dma2 semaphore(%run_scoped3A : memref<!tpu.dma_semaphore, #tpu.memory_space<semaphore_mem>>) src(%dma_wait3A_37 : memref<120x64xf32, #tpu.memory_space<hbm>>) dst(%dma_wait3A_35 : memref<120x64xf32, #tpu.memory_space<vmem>>)
      tpu.yield
    }) : () -> ()
    %add3A_10 = arith.constant 632 : i32
    %add3A_11 = arith.addi %mul3A_2, %add3A_10 : i32
    %sub3A_12 = arith.constant 120 : i32
    %sub3A_13 = arith.subi %add3A_11, %sub3A_12 : i32
    "tpu.region"() ({
      %run_scoped3A = tpu.sem_alloc : memref<!tpu.dma_semaphore, #tpu.memory_space<semaphore_mem>>
      %dma_start3A = arith.constant 0 : i32
      %dma_start3A_20 = arith.constant 0 : i32
      %dma_start3A_21 = tpu.memref_slice %arg9[%dma_start3A, %dma_start3A_20] : memref<128x64xf32, #tpu.memory_space<vmem>> -> memref<120x64xf32, #tpu.memory_space<vmem>>
      %dma_start3A_22 = arith.constant 0 : i32
      %dma_start3A_23 = tpu.memref_slice %arg11[%sub3A_13, %dma_start3A_22] : memref<10112x64xf32, #tpu.memory_space<vmem_shared>> -> memref<120x64xf32, #tpu.memory_space<vmem_shared>>
      %dma_start3A_24 = arith.constant 0 : i32
      %dma_start3A_25 = tpu.memref_slice %arg11[%sub3A_13, %dma_start3A_24] : memref<10112x64xf32, #tpu.memory_space<vmem_shared>> -> memref<120x64xf32, #tpu.memory_space<vmem_shared>>
      %dma_start3A_26 = arith.constant 0 : i32
      %dma_start3A_27 = arith.constant 0 : i32
      %dma_start3A_28 = tpu.memref_slice %arg9[%dma_start3A_26, %dma_start3A_27] : memref<128x64xf32, #tpu.memory_space<vmem>> -> memref<120x64xf32, #tpu.memory_space<vmem>>
      tpu.enqueue_dma source(%dma_start3A_28 : memref<120x64xf32, #tpu.memory_space<vmem>>) target(%dma_start3A_25 : memref<120x64xf32, #tpu.memory_space<vmem_shared>>) target_semaphore(%run_scoped3A : memref<!tpu.dma_semaphore, #tpu.memory_space<semaphore_mem>>)
      %dma_wait3A = arith.constant 0 : i32
      %dma_wait3A_29 = arith.constant 0 : i32
      %dma_wait3A_30 = tpu.memref_slice %arg9[%dma_wait3A, %dma_wait3A_29] : memref<128x64xf32, #tpu.memory_space<vmem>> -> memref<120x64xf32, #tpu.memory_space<vmem>>
      %dma_wait3A_31 = arith.constant 0 : i32
      %dma_wait3A_32 = tpu.memref_slice %arg11[%sub3A_13, %dma_wait3A_31] : memref<10112x64xf32, #tpu.memory_space<vmem_shared>> -> memref<120x64xf32, #tpu.memory_space<vmem_shared>>
      %dma_wait3A_33 = arith.constant 0 : i32
      %dma_wait3A_34 = tpu.memref_slice %arg11[%sub3A_13, %dma_wait3A_33] : memref<10112x64xf32, #tpu.memory_space<vmem_shared>> -> memref<120x64xf32, #tpu.memory_space<vmem_shared>>
      %dma_wait3A_35 = arith.constant 0 : i32
      %dma_wait3A_36 = arith.constant 0 : i32
      %dma_wait3A_37 = tpu.memref_slice %arg9[%dma_wait3A_35, %dma_wait3A_36] : memref<128x64xf32, #tpu.memory_space<vmem>> -> memref<120x64xf32, #tpu.memory_space<vmem>>
      tpu.wait_dma2 semaphore(%run_scoped3A : memref<!tpu.dma_semaphore, #tpu.memory_space<semaphore_mem>>) src(%dma_wait3A_37 : memref<120x64xf32, #tpu.memory_space<vmem>>) dst(%dma_wait3A_34 : memref<120x64xf32, #tpu.memory_space<vmem_shared>>)
      tpu.yield
    }) : () -> ()
    %barrier3A = arith.constant 0 : index
    tpu.barrier barrier_id(%barrier3A)
    %scan3A_14 = arith.constant 0 : i32
    %scan3A_15 = arith.constant 5 : i32
    %scan3A_16 = arith.addi %scan3A_14, %scan3A_15 : i32
    %scan3A_17 = arith.constant 1 : i32
    scf.for %scan3A_20 = %scan3A_14 to %scan3A_16 step %scan3A_17  : i32 {
      %mul3A_21 = arith.constant 1 : i32
      %mul3A_22 = arith.muli %scan3A_20, %mul3A_21 : i32
      %add3A_23 = arith.constant 0 : i32
      %add3A_24 = arith.addi %add3A_23, %mul3A_22 : i32
      %mul3A_25 = arith.constant 16 : i32
      %mul3A_26 = arith.muli %add3A_24, %mul3A_25 : i32
      "tpu.region"() ({
        %run_scoped3A = tpu.sem_alloc : memref<!tpu.dma_semaphore, #tpu.memory_space<semaphore_mem>>
        %dma_start3A_60 = arith.constant 0 : i32
        %dma_start3A_61 = tpu.memref_slice %arg3[%add3A, %mul3A_26, %dma_start3A_60] : memref<32x80x128xi32, #tpu.memory_space<hbm>> -> memref<1x16x128xi32, #tpu.memory_space<hbm>>
        %dma_start3A_62 = tpu.memref_squeeze %dma_start3A_61 : memref<1x16x128xi32, #tpu.memory_space<hbm>> -> memref<16x128xi32, #tpu.memory_space<hbm>>
        %dma_start3A_63 = arith.constant 0 : i32
        %dma_start3A_64 = tpu.memref_slice %arg3[%add3A, %mul3A_26, %dma_start3A_63] : memref<32x80x128xi32, #tpu.memory_space<hbm>> -> memref<1x16x128xi32, #tpu.memory_space<hbm>>
        %dma_start3A_65 = tpu.memref_squeeze %dma_start3A_64 : memref<1x16x128xi32, #tpu.memory_space<hbm>> -> memref<16x128xi32, #tpu.memory_space<hbm>>
        tpu.enqueue_dma source(%dma_start3A_65 : memref<16x128xi32, #tpu.memory_space<hbm>>) target(%arg7 : memref<16x128xi32, #tpu.memory_space<vmem>>) target_semaphore(%run_scoped3A : memref<!tpu.dma_semaphore, #tpu.memory_space<semaphore_mem>>)
        %dma_wait3A_66 = arith.constant 0 : i32
        %dma_wait3A_67 = tpu.memref_slice %arg3[%add3A, %mul3A_26, %dma_wait3A_66] : memref<32x80x128xi32, #tpu.memory_space<hbm>> -> memref<1x16x128xi32, #tpu.memory_space<hbm>>
        %dma_wait3A_68 = tpu.memref_squeeze %dma_wait3A_67 : memref<1x16x128xi32, #tpu.memory_space<hbm>> -> memref<16x128xi32, #tpu.memory_space<hbm>>
        %dma_wait3A_69 = arith.constant 0 : i32
        %dma_wait3A_70 = tpu.memref_slice %arg3[%add3A, %mul3A_26, %dma_wait3A_69] : memref<32x80x128xi32, #tpu.memory_space<hbm>> -> memref<1x16x128xi32, #tpu.memory_space<hbm>>
        %dma_wait3A_71 = tpu.memref_squeeze %dma_wait3A_70 : memref<1x16x128xi32, #tpu.memory_space<hbm>> -> memref<16x128xi32, #tpu.memory_space<hbm>>
        tpu.wait_dma2 semaphore(%run_scoped3A : memref<!tpu.dma_semaphore, #tpu.memory_space<semaphore_mem>>) src(%dma_wait3A_71 : memref<16x128xi32, #tpu.memory_space<hbm>>) dst(%arg7 : memref<16x128xi32, #tpu.memory_space<vmem>>)
        tpu.yield
      }) : () -> ()
      %mul3A_27 = arith.constant 16 : i32
      %mul3A_28 = arith.muli %add3A_24, %mul3A_27 : i32
      "tpu.region"() ({
        %run_scoped3A = tpu.sem_alloc : memref<!tpu.dma_semaphore, #tpu.memory_space<semaphore_mem>>
        %dma_start3A_60 = arith.constant 0 : i32
        %dma_start3A_61 = tpu.memref_slice %arg4[%add3A, %mul3A_28, %dma_start3A_60] : memref<32x80x128xi32, #tpu.memory_space<hbm>> -> memref<1x16x128xi32, #tpu.memory_space<hbm>>
        %dma_start3A_62 = tpu.memref_squeeze %dma_start3A_61 : memref<1x16x128xi32, #tpu.memory_space<hbm>> -> memref<16x128xi32, #tpu.memory_space<hbm>>
        %dma_start3A_63 = arith.constant 0 : i32
        %dma_start3A_64 = tpu.memref_slice %arg4[%add3A, %mul3A_28, %dma_start3A_63] : memref<32x80x128xi32, #tpu.memory_space<hbm>> -> memref<1x16x128xi32, #tpu.memory_space<hbm>>
        %dma_start3A_65 = tpu.memref_squeeze %dma_start3A_64 : memref<1x16x128xi32, #tpu.memory_space<hbm>> -> memref<16x128xi32, #tpu.memory_space<hbm>>
        tpu.enqueue_dma source(%dma_start3A_65 : memref<16x128xi32, #tpu.memory_space<hbm>>) target(%arg8 : memref<16x128xi32, #tpu.memory_space<vmem>>) target_semaphore(%run_scoped3A : memref<!tpu.dma_semaphore, #tpu.memory_space<semaphore_mem>>)
        %dma_wait3A_66 = arith.constant 0 : i32
        %dma_wait3A_67 = tpu.memref_slice %arg4[%add3A, %mul3A_28, %dma_wait3A_66] : memref<32x80x128xi32, #tpu.memory_space<hbm>> -> memref<1x16x128xi32, #tpu.memory_space<hbm>>
        %dma_wait3A_68 = tpu.memref_squeeze %dma_wait3A_67 : memref<1x16x128xi32, #tpu.memory_space<hbm>> -> memref<16x128xi32, #tpu.memory_space<hbm>>
        %dma_wait3A_69 = arith.constant 0 : i32
        %dma_wait3A_70 = tpu.memref_slice %arg4[%add3A, %mul3A_28, %dma_wait3A_69] : memref<32x80x128xi32, #tpu.memory_space<hbm>> -> memref<1x16x128xi32, #tpu.memory_space<hbm>>
        %dma_wait3A_71 = tpu.memref_squeeze %dma_wait3A_70 : memref<1x16x128xi32, #tpu.memory_space<hbm>> -> memref<16x128xi32, #tpu.memory_space<hbm>>
        tpu.wait_dma2 semaphore(%run_scoped3A : memref<!tpu.dma_semaphore, #tpu.memory_space<semaphore_mem>>) src(%dma_wait3A_71 : memref<16x128xi32, #tpu.memory_space<hbm>>) dst(%arg8 : memref<16x128xi32, #tpu.memory_space<vmem>>)
        tpu.yield
      }) : () -> ()
      %dma_start3A = arith.constant 0 : i32
      %dma_start3A_29 = arith.constant 0 : i32
      %dma_start3A_30 = tpu.memref_slice %arg7[%dma_start3A, %dma_start3A_29] : memref<16x128xi32, #tpu.memory_space<vmem>> -> memref<1x128xi32, #tpu.memory_space<vmem>>
      %dma_start3A_31 = tpu.memref_squeeze %dma_start3A_30 : memref<1x128xi32, #tpu.memory_space<vmem>> -> memref<128xi32, #tpu.memory_space<vmem>>
      %dma_start3A_32 = arith.constant 0 : i32
      %dma_start3A_33 = arith.constant 0 : i32
      %dma_start3A_34 = tpu.memref_slice %arg11[%dma_start3A_32, %dma_start3A_33] : memref<10112x64xf32, #tpu.memory_space<vmem_shared>> -> memref<10112x64xf32, #tpu.memory_space<vmem_shared>>
      tpu.enqueue_indirect_dma source(%dma_start3A_34 : memref<10112x64xf32, #tpu.memory_space<vmem_shared>>) target(%arg9 : memref<128x64xf32, #tpu.memory_space<vmem>>) offsets(%dma_start3A_31 : memref<128xi32, #tpu.memory_space<vmem>>) semaphore(%arg12 : memref<!tpu.dma_semaphore, #tpu.memory_space<semaphore_mem>>)
      %dma_start3A_35 = arith.constant 1 : i32
      %dma_start3A_36 = arith.constant 0 : i32
      %dma_start3A_37 = tpu.memref_slice %arg7[%dma_start3A_35, %dma_start3A_36] : memref<16x128xi32, #tpu.memory_space<vmem>> -> memref<1x128xi32, #tpu.memory_space<vmem>>
      %dma_start3A_38 = tpu.memref_squeeze %dma_start3A_37 : memref<1x128xi32, #tpu.memory_space<vmem>> -> memref<128xi32, #tpu.memory_space<vmem>>
      %dma_start3A_39 = arith.constant 0 : i32
      %dma_start3A_40 = arith.constant 0 : i32
      %dma_start3A_41 = tpu.memref_slice %arg11[%dma_start3A_39, %dma_start3A_40] : memref<10112x64xf32, #tpu.memory_space<vmem_shared>> -> memref<10112x64xf32, #tpu.memory_space<vmem_shared>>
      tpu.enqueue_indirect_dma source(%dma_start3A_41 : memref<10112x64xf32, #tpu.memory_space<vmem_shared>>) target(%arg10 : memref<128x64xf32, #tpu.memory_space<vmem>>) offsets(%dma_start3A_38 : memref<128xi32, #tpu.memory_space<vmem>>) semaphore(%arg13 : memref<!tpu.dma_semaphore, #tpu.memory_space<semaphore_mem>>)
      %scan3A_42 = arith.constant 0 : i32
      %scan3A_43 = arith.constant 7 : i32
      %scan3A_44 = arith.addi %scan3A_42, %scan3A_43 : i32
      %scan3A_45 = arith.constant 1 : i32
      scf.for %scan3A_60 = %scan3A_42 to %scan3A_44 step %scan3A_45  : i32 {
        %mul3A_61 = arith.constant 1 : i32
        %mul3A_62 = arith.muli %scan3A_60, %mul3A_61 : i32
        %add3A_63 = arith.constant 0 : i32
        %add3A_64 = arith.addi %add3A_63, %mul3A_62 : i32
        %mul3A_65 = arith.constant 2 : i32
        %mul3A_66 = arith.muli %mul3A_65, %add3A_64 : i32
        %add3A_67 = arith.constant 0 : i32
        %add3A_68 = arith.addi %mul3A_66, %add3A_67 : i32
        %dma_wait3A_69 = arith.constant 0 : i32
        %dma_wait3A_70 = tpu.memref_slice %arg7[%add3A_68, %dma_wait3A_69] : memref<16x128xi32, #tpu.memory_space<vmem>> -> memref<1x128xi32, #tpu.memory_space<vmem>>
        %dma_wait3A_71 = tpu.memref_squeeze %dma_wait3A_70 : memref<1x128xi32, #tpu.memory_space<vmem>> -> memref<128xi32, #tpu.memory_space<vmem>>
        %dma_wait3A_72 = arith.constant 0 : i32
        %dma_wait3A_73 = arith.constant 0 : i32
        %dma_wait3A_74 = tpu.memref_slice %arg11[%dma_wait3A_72, %dma_wait3A_73] : memref<10112x64xf32, #tpu.memory_space<vmem_shared>> -> memref<10112x64xf32, #tpu.memory_space<vmem_shared>>
        tpu.wait_indirect_dma semaphore(%arg12 : memref<!tpu.dma_semaphore, #tpu.memory_space<semaphore_mem>>) src(%dma_wait3A_74 : memref<10112x64xf32, #tpu.memory_space<vmem_shared>>) dst(%arg9 : memref<128x64xf32, #tpu.memory_space<vmem>>)
        %add3A_75 = arith.constant 0 : i32
        %add3A_76 = arith.addi %mul3A_66, %add3A_75 : i32
        %add3A_77 = arith.constant 1 : i32
        %add3A_78 = arith.addi %mul3A_66, %add3A_77 : i32
        %dma_wait3A_79 = arith.constant 0 : i32
        %dma_wait3A_80 = tpu.memref_slice %arg7[%add3A_78, %dma_wait3A_79] : memref<16x128xi32, #tpu.memory_space<vmem>> -> memref<1x128xi32, #tpu.memory_space<vmem>>
        %dma_wait3A_81 = tpu.memref_squeeze %dma_wait3A_80 : memref<1x128xi32, #tpu.memory_space<vmem>> -> memref<128xi32, #tpu.memory_space<vmem>>
        %dma_wait3A_82 = arith.constant 0 : i32
        %dma_wait3A_83 = arith.constant 0 : i32
        %dma_wait3A_84 = tpu.memref_slice %arg11[%dma_wait3A_82, %dma_wait3A_83] : memref<10112x64xf32, #tpu.memory_space<vmem_shared>> -> memref<10112x64xf32, #tpu.memory_space<vmem_shared>>
        tpu.wait_indirect_dma semaphore(%arg13 : memref<!tpu.dma_semaphore, #tpu.memory_space<semaphore_mem>>) src(%dma_wait3A_84 : memref<10112x64xf32, #tpu.memory_space<vmem_shared>>) dst(%arg10 : memref<128x64xf32, #tpu.memory_space<vmem>>)
        %add3A_85 = arith.constant 1 : i32
        %add3A_86 = arith.addi %mul3A_66, %add3A_85 : i32
        %add3A_87 = arith.constant 0 : i32
        %add3A_88 = arith.addi %mul3A_66, %add3A_87 : i32
        %add3A_89 = arith.constant 0 : i32
        %add3A_90 = arith.addi %mul3A_66, %add3A_89 : i32
        %add3A_91 = arith.constant 2 : i32
        %add3A_92 = arith.addi %add3A_90, %add3A_91 : i32
        %dma_start3A_93 = arith.constant 0 : i32
        %dma_start3A_94 = tpu.memref_slice %arg7[%add3A_92, %dma_start3A_93] : memref<16x128xi32, #tpu.memory_space<vmem>> -> memref<1x128xi32, #tpu.memory_space<vmem>>
        %dma_start3A_95 = tpu.memref_squeeze %dma_start3A_94 : memref<1x128xi32, #tpu.memory_space<vmem>> -> memref<128xi32, #tpu.memory_space<vmem>>
        %dma_start3A_96 = arith.constant 0 : i32
        %dma_start3A_97 = arith.constant 0 : i32
        %dma_start3A_98 = tpu.memref_slice %arg11[%dma_start3A_96, %dma_start3A_97] : memref<10112x64xf32, #tpu.memory_space<vmem_shared>> -> memref<10112x64xf32, #tpu.memory_space<vmem_shared>>
        tpu.enqueue_indirect_dma source(%dma_start3A_98 : memref<10112x64xf32, #tpu.memory_space<vmem_shared>>) target(%arg9 : memref<128x64xf32, #tpu.memory_space<vmem>>) offsets(%dma_start3A_95 : memref<128xi32, #tpu.memory_space<vmem>>) semaphore(%arg12 : memref<!tpu.dma_semaphore, #tpu.memory_space<semaphore_mem>>)
        %add3A_99 = arith.constant 1 : i32
        %add3A_100 = arith.addi %mul3A_66, %add3A_99 : i32
        %add3A_101 = arith.constant 1 : i32
        %add3A_102 = arith.addi %mul3A_66, %add3A_101 : i32
        %add3A_103 = arith.constant 2 : i32
        %add3A_104 = arith.addi %add3A_102, %add3A_103 : i32
        %dma_start3A_105 = arith.constant 0 : i32
        %dma_start3A_106 = tpu.memref_slice %arg7[%add3A_104, %dma_start3A_105] : memref<16x128xi32, #tpu.memory_space<vmem>> -> memref<1x128xi32, #tpu.memory_space<vmem>>
        %dma_start3A_107 = tpu.memref_squeeze %dma_start3A_106 : memref<1x128xi32, #tpu.memory_space<vmem>> -> memref<128xi32, #tpu.memory_space<vmem>>
        %dma_start3A_108 = arith.constant 0 : i32
        %dma_start3A_109 = arith.constant 0 : i32
        %dma_start3A_110 = tpu.memref_slice %arg11[%dma_start3A_108, %dma_start3A_109] : memref<10112x64xf32, #tpu.memory_space<vmem_shared>> -> memref<10112x64xf32, #tpu.memory_space<vmem_shared>>
        tpu.enqueue_indirect_dma source(%dma_start3A_110 : memref<10112x64xf32, #tpu.memory_space<vmem_shared>>) target(%arg10 : memref<128x64xf32, #tpu.memory_space<vmem>>) offsets(%dma_start3A_107 : memref<128xi32, #tpu.memory_space<vmem>>) semaphore(%arg13 : memref<!tpu.dma_semaphore, #tpu.memory_space<semaphore_mem>>)
      }
      %scan3A_46 = arith.constant 7 : i32
      %dma_wait3A = arith.constant 14 : i32
      %dma_wait3A_47 = arith.constant 0 : i32
      %dma_wait3A_48 = tpu.memref_slice %arg7[%dma_wait3A, %dma_wait3A_47] : memref<16x128xi32, #tpu.memory_space<vmem>> -> memref<1x128xi32, #tpu.memory_space<vmem>>
      %dma_wait3A_49 = tpu.memref_squeeze %dma_wait3A_48 : memref<1x128xi32, #tpu.memory_space<vmem>> -> memref<128xi32, #tpu.memory_space<vmem>>
      %dma_wait3A_50 = arith.constant 0 : i32
      %dma_wait3A_51 = arith.constant 0 : i32
      %dma_wait3A_52 = tpu.memref_slice %arg11[%dma_wait3A_50, %dma_wait3A_51] : memref<10112x64xf32, #tpu.memory_space<vmem_shared>> -> memref<10112x64xf32, #tpu.memory_space<vmem_shared>>
      tpu.wait_indirect_dma semaphore(%arg12 : memref<!tpu.dma_semaphore, #tpu.memory_space<semaphore_mem>>) src(%dma_wait3A_52 : memref<10112x64xf32, #tpu.memory_space<vmem_shared>>) dst(%arg9 : memref<128x64xf32, #tpu.memory_space<vmem>>)
      %dma_wait3A_53 = arith.constant 15 : i32
      %dma_wait3A_54 = arith.constant 0 : i32
      %dma_wait3A_55 = tpu.memref_slice %arg7[%dma_wait3A_53, %dma_wait3A_54] : memref<16x128xi32, #tpu.memory_space<vmem>> -> memref<1x128xi32, #tpu.memory_space<vmem>>
      %dma_wait3A_56 = tpu.memref_squeeze %dma_wait3A_55 : memref<1x128xi32, #tpu.memory_space<vmem>> -> memref<128xi32, #tpu.memory_space<vmem>>
      %dma_wait3A_57 = arith.constant 0 : i32
      %dma_wait3A_58 = arith.constant 0 : i32
      %dma_wait3A_59 = tpu.memref_slice %arg11[%dma_wait3A_57, %dma_wait3A_58] : memref<10112x64xf32, #tpu.memory_space<vmem_shared>> -> memref<10112x64xf32, #tpu.memory_space<vmem_shared>>
      tpu.wait_indirect_dma semaphore(%arg13 : memref<!tpu.dma_semaphore, #tpu.memory_space<semaphore_mem>>) src(%dma_wait3A_59 : memref<10112x64xf32, #tpu.memory_space<vmem_shared>>) dst(%arg10 : memref<128x64xf32, #tpu.memory_space<vmem>>)
    }
    %scan3A_18 = arith.constant 5 : i32
    %barrier3A_19 = arith.constant 0 : index
    tpu.barrier barrier_id(%barrier3A_19)
    "tpu.region"() ({
      %run_scoped3A = tpu.sem_alloc : memref<!tpu.dma_semaphore, #tpu.memory_space<semaphore_mem>>
      %dma_start3A = arith.constant 0 : i32
      %dma_start3A_20 = tpu.memref_slice %arg6[%arg0, %mul3A_2, %dma_start3A] : memref<2x10112x64xf32, #tpu.memory_space<hbm>> -> memref<1x632x64xf32, #tpu.memory_space<hbm>>
      %dma_start3A_21 = tpu.memref_squeeze %dma_start3A_20 : memref<1x632x64xf32, #tpu.memory_space<hbm>> -> memref<632x64xf32, #tpu.memory_space<hbm>>
      %dma_start3A_22 = arith.constant 0 : i32
      %dma_start3A_23 = tpu.memref_slice %arg11[%mul3A_2, %dma_start3A_22] : memref<10112x64xf32, #tpu.memory_space<vmem_shared>> -> memref<632x64xf32, #tpu.memory_space<vmem_shared>>
      tpu.enqueue_dma source(%dma_start3A_23 : memref<632x64xf32, #tpu.memory_space<vmem_shared>>) target(%dma_start3A_21 : memref<632x64xf32, #tpu.memory_space<hbm>>) target_semaphore(%run_scoped3A : memref<!tpu.dma_semaphore, #tpu.memory_space<semaphore_mem>>)
      %dma_wait3A = arith.constant 0 : i32
      %dma_wait3A_24 = tpu.memref_slice %arg6[%arg0, %mul3A_2, %dma_wait3A] : memref<2x10112x64xf32, #tpu.memory_space<hbm>> -> memref<1x632x64xf32, #tpu.memory_space<hbm>>
      %dma_wait3A_25 = tpu.memref_squeeze %dma_wait3A_24 : memref<1x632x64xf32, #tpu.memory_space<hbm>> -> memref<632x64xf32, #tpu.memory_space<hbm>>
      %dma_wait3A_26 = arith.constant 0 : i32
      %dma_wait3A_27 = tpu.memref_slice %arg11[%mul3A_2, %dma_wait3A_26] : memref<10112x64xf32, #tpu.memory_space<vmem_shared>> -> memref<632x64xf32, #tpu.memory_space<vmem_shared>>
      tpu.wait_dma2 semaphore(%run_scoped3A : memref<!tpu.dma_semaphore, #tpu.memory_space<semaphore_mem>>) src(%dma_wait3A_27 : memref<632x64xf32, #tpu.memory_space<vmem_shared>>) dst(%dma_wait3A_25 : memref<632x64xf32, #tpu.memory_space<hbm>>)
      tpu.yield
    }) : () -> ()
    return
  }
}

module attributes {stable_mosaic.version = 14 : i64} {
  func.func @body(%arg0: i32, %arg1: memref<2x2000x128xf32, #tpu.memory_space<vmem>>, %arg2: memref<2x2000x16xf32, #tpu.memory_space<vmem>>, %arg3: memref<2000x128xf32, #tpu.memory_space<vmem>>, %arg4: memref<128x128xf32, #tpu.memory_space<vmem>>, %arg5: memref<1x128xf32, #tpu.memory_space<vmem>>, %arg6: memref<128x128xf32, #tpu.memory_space<vmem>>, %arg7: memref<2000x128xf32, #tpu.memory_space<vmem>>) attributes {dimension_semantics = [#tpu.dimension_semantics<arbitrary>], iteration_bounds = array<i64: 5>, scalar_prefetch = 0 : i64, scratch_operands = 0 : i64, tpu.core_type = #tpu.core_type<tc>, window_params = [{transform_indices = @transform_0, window_bounds = array<i64: 2, 2000, 128>}, {transform_indices = @transform_1, window_bounds = array<i64: 2, 2000, 16>}, {transform_indices = @transform_2, window_bounds = array<i64: 2000, 128>}, {pipeline_mode = #tpu.pipeline_mode<synchronous>, transform_indices = @transform_3, window_bounds = array<i64: 128, 128>}, {pipeline_mode = #tpu.pipeline_mode<synchronous>, transform_indices = @transform_4, window_bounds = array<i64: 1, 128>}, {pipeline_mode = #tpu.pipeline_mode<synchronous>, transform_indices = @transform_5, window_bounds = array<i64: 128, 128>}, {transform_indices = @transform_6, window_bounds = array<i64: 2000, 128>}]} {
    %get3A = arith.constant 0 : index
    %get3A_0 = arith.constant 0 : index
    %get3A_1 = arith.constant 0 : index
    %get3A_2 = vector.load %arg1[%get3A, %get3A_0, %get3A_1] : memref<2x2000x128xf32, #tpu.memory_space<vmem>>, vector<1x2000x128xf32>
    %get3A_3 = vector.shape_cast %get3A_2 : vector<1x2000x128xf32> to vector<2000x128xf32>
    %get3A_4 = arith.constant 1 : index
    %get3A_5 = arith.constant 0 : index
    %get3A_6 = arith.constant 0 : index
    %get3A_7 = vector.load %arg1[%get3A_4, %get3A_5, %get3A_6] : memref<2x2000x128xf32, #tpu.memory_space<vmem>>, vector<1x2000x128xf32>
    %get3A_8 = vector.shape_cast %get3A_7 : vector<1x2000x128xf32> to vector<2000x128xf32>
    %add3A = arith.addf %get3A_3, %get3A_8 : vector<2000x128xf32>
    %get3A_9 = arith.constant 0 : index
    %get3A_10 = arith.constant 0 : index
    %get3A_11 = arith.constant 0 : index
    %get3A_12 = vector.load %arg2[%get3A_9, %get3A_10, %get3A_11] : memref<2x2000x16xf32, #tpu.memory_space<vmem>>, vector<1x2000x1xf32>
    %get3A_13 = vector.shape_cast %get3A_12 : vector<1x2000x1xf32> to vector<2000x1xf32>
    %get3A_14 = arith.constant 1 : index
    %get3A_15 = arith.constant 0 : index
    %get3A_16 = arith.constant 0 : index
    %get3A_17 = vector.load %arg2[%get3A_14, %get3A_15, %get3A_16] : memref<2x2000x16xf32, #tpu.memory_space<vmem>>, vector<1x2000x1xf32>
    %get3A_18 = vector.shape_cast %get3A_17 : vector<1x2000x1xf32> to vector<2000x1xf32>
    %add3A_19 = arith.addf %get3A_13, %get3A_18 : vector<2000x1xf32>
    %max3A = arith.constant 1.000000e+00 : f32
    %max3A_20 = vector.broadcast %max3A : f32 to vector<2000x1xf32>
    %max3A_21 = arith.maximumf %add3A_19, %max3A_20 : vector<2000x1xf32>
    %div3A = vector.broadcast %max3A_21 : vector<2000x1xf32> to vector<2000x128xf32>
    %div3A_22 = arith.divf %add3A, %div3A : vector<2000x128xf32>
    %get3A_23 = arith.constant 0 : index
    %get3A_24 = arith.constant 0 : index
    %get3A_25 = vector.load %arg4[%get3A_23, %get3A_24] : memref<128x128xf32, #tpu.memory_space<vmem>>, vector<128x128xf32>
    %dot_general3A = arith.constant dense<0.000000e+00> : vector<2000x128xf32>
    %dot_general3A_26 = tpu.matmul %div3A_22, %get3A_25, %dot_general3A {dimension_numbers = #tpu.dot_dimension_numbers<[1], [1], [0], [0], [0, 0, 1, 0], [], []>, precision = #tpu.contract_precision<fp32>, transpose_lhs_hint = false} : vector<2000x128xf32>, vector<128x128xf32>, vector<2000x128xf32> -> vector<2000x128xf32>
    %get3A_27 = arith.constant 0 : index
    %get3A_28 = arith.constant 0 : index
    %get3A_29 = vector.load %arg3[%get3A_27, %get3A_28] : memref<2000x128xf32, #tpu.memory_space<vmem>>, vector<2000x128xf32>
    %get3A_30 = arith.constant 0 : index
    %get3A_31 = arith.constant 0 : index
    %get3A_32 = vector.load %arg6[%get3A_30, %get3A_31] : memref<128x128xf32, #tpu.memory_space<vmem>>, vector<128x128xf32>
    %dot_general3A_33 = arith.constant dense<0.000000e+00> : vector<2000x128xf32>
    %dot_general3A_34 = tpu.matmul %get3A_29, %get3A_32, %dot_general3A_33 {dimension_numbers = #tpu.dot_dimension_numbers<[1], [1], [0], [0], [0, 0, 1, 0], [], []>, precision = #tpu.contract_precision<fp32>, transpose_lhs_hint = false} : vector<2000x128xf32>, vector<128x128xf32>, vector<2000x128xf32> -> vector<2000x128xf32>
    %add3A_35 = arith.addf %dot_general3A_26, %dot_general3A_34 : vector<2000x128xf32>
    %get3A_36 = arith.constant 0 : index
    %get3A_37 = arith.constant 0 : index
    %get3A_38 = vector.load %arg5[%get3A_36, %get3A_37] : memref<1x128xf32, #tpu.memory_space<vmem>>, vector<1x128xf32>
    %add3A_39 = vector.broadcast %get3A_38 : vector<1x128xf32> to vector<2000x128xf32>
    %add3A_40 = arith.addf %add3A_35, %add3A_39 : vector<2000x128xf32>
    %max3A_41 = arith.constant 0.000000e+00 : f32
    %max3A_42 = vector.broadcast %max3A_41 : f32 to vector<2000x128xf32>
    %max3A_43 = arith.maximumf %add3A_40, %max3A_42 : vector<2000x128xf32>
    %swap3A = arith.constant 0 : index
    %swap3A_44 = arith.constant 0 : index
    %swap3A_45 = vector.load %arg7[%swap3A, %swap3A_44] : memref<2000x128xf32, #tpu.memory_space<vmem>>, vector<2000x128xf32>
    tpu.vector_store %arg7[%swap3A, %swap3A_44], %max3A_43 {strides = array<i32>} : memref<2000x128xf32, #tpu.memory_space<vmem>>, vector<2000x128xf32>,
    return
  }
  func.func @transform_0(%arg0: i32) -> (i32, i32, i32) {
    %c0_i32 = arith.constant 0 : i32
    %c0_i32_0 = arith.constant 0 : i32
    %c0_i32_1 = arith.constant 0 : i32
    return %c0_i32, %arg0, %c0_i32_0 : i32, i32, i32
  }
  func.func @transform_1(%arg0: i32) -> (i32, i32, i32) {
    %c0_i32 = arith.constant 0 : i32
    %c0_i32_0 = arith.constant 0 : i32
    %c0_i32_1 = arith.constant 0 : i32
    return %c0_i32, %arg0, %c0_i32_0 : i32, i32, i32
  }
  func.func @transform_2(%arg0: i32) -> (i32, i32) {
    %c0_i32 = arith.constant 0 : i32
    %c0_i32_0 = arith.constant 0 : i32
    return %arg0, %c0_i32 : i32, i32
  }
  func.func @transform_3(%arg0: i32) -> (i32, i32) {
    %c0_i32 = arith.constant 0 : i32
    %c0_i32_0 = arith.constant 0 : i32
    %c0_i32_1 = arith.constant 0 : i32
    return %c0_i32, %c0_i32_0 : i32, i32
  }
  func.func @transform_4(%arg0: i32) -> (i32, i32) {
    %c0_i32 = arith.constant 0 : i32
    %c0_i32_0 = arith.constant 0 : i32
    %c0_i32_1 = arith.constant 0 : i32
    return %c0_i32, %c0_i32_0 : i32, i32
  }
  func.func @transform_5(%arg0: i32) -> (i32, i32) {
    %c0_i32 = arith.constant 0 : i32
    %c0_i32_0 = arith.constant 0 : i32
    %c0_i32_1 = arith.constant 0 : i32
    return %c0_i32, %c0_i32_0 : i32, i32
  }
  func.func @transform_6(%arg0: i32) -> (i32, i32) {
    %c0_i32 = arith.constant 0 : i32
    %c0_i32_0 = arith.constant 0 : i32
    return %arg0, %c0_i32 : i32, i32
  }
}

module attributes {stable_mosaic.version = 14 : i64} {
  func.func @body(%arg0: i32, %arg1: memref<2x2000x128xf32, #tpu.memory_space<vmem>>, %arg2: memref<2x2000x16xf32, #tpu.memory_space<vmem>>, %arg3: memref<2000x128xf32, #tpu.memory_space<vmem>>, %arg4: memref<128x128xf32, #tpu.memory_space<vmem>>, %arg5: memref<1x128xf32, #tpu.memory_space<vmem>>, %arg6: memref<128x128xf32, #tpu.memory_space<vmem>>, %arg7: memref<2000x128xf32, #tpu.memory_space<vmem>>) attributes {dimension_semantics = [#tpu.dimension_semantics<arbitrary>], iteration_bounds = array<i64: 5>, scalar_prefetch = 0 : i64, scratch_operands = 0 : i64, tpu.core_type = #tpu.core_type<tc>, window_params = [{transform_indices = @transform_0, window_bounds = array<i64: 2, 2000, 128>}, {transform_indices = @transform_1, window_bounds = array<i64: 2, 2000, 16>}, {transform_indices = @transform_2, window_bounds = array<i64: 2000, 128>}, {pipeline_mode = #tpu.pipeline_mode<synchronous>, transform_indices = @transform_3, window_bounds = array<i64: 128, 128>}, {pipeline_mode = #tpu.pipeline_mode<synchronous>, transform_indices = @transform_4, window_bounds = array<i64: 1, 128>}, {pipeline_mode = #tpu.pipeline_mode<synchronous>, transform_indices = @transform_5, window_bounds = array<i64: 128, 128>}, {transform_indices = @transform_6, window_bounds = array<i64: 2000, 128>}]} {
    %get3A = arith.constant 0 : index
    %get3A_0 = arith.constant 0 : index
    %get3A_1 = arith.constant 0 : index
    %get3A_2 = vector.load %arg1[%get3A, %get3A_0, %get3A_1] : memref<2x2000x128xf32, #tpu.memory_space<vmem>>, vector<1x2000x128xf32>
    %get3A_3 = vector.shape_cast %get3A_2 : vector<1x2000x128xf32> to vector<2000x128xf32>
    %get3A_4 = arith.constant 1 : index
    %get3A_5 = arith.constant 0 : index
    %get3A_6 = arith.constant 0 : index
    %get3A_7 = vector.load %arg1[%get3A_4, %get3A_5, %get3A_6] : memref<2x2000x128xf32, #tpu.memory_space<vmem>>, vector<1x2000x128xf32>
    %get3A_8 = vector.shape_cast %get3A_7 : vector<1x2000x128xf32> to vector<2000x128xf32>
    %add3A = arith.addf %get3A_3, %get3A_8 : vector<2000x128xf32>
    %get3A_9 = arith.constant 0 : index
    %get3A_10 = arith.constant 0 : index
    %get3A_11 = arith.constant 0 : index
    %get3A_12 = vector.load %arg2[%get3A_9, %get3A_10, %get3A_11] : memref<2x2000x16xf32, #tpu.memory_space<vmem>>, vector<1x2000x1xf32>
    %get3A_13 = vector.shape_cast %get3A_12 : vector<1x2000x1xf32> to vector<2000x1xf32>
    %get3A_14 = arith.constant 1 : index
    %get3A_15 = arith.constant 0 : index
    %get3A_16 = arith.constant 0 : index
    %get3A_17 = vector.load %arg2[%get3A_14, %get3A_15, %get3A_16] : memref<2x2000x16xf32, #tpu.memory_space<vmem>>, vector<1x2000x1xf32>
    %get3A_18 = vector.shape_cast %get3A_17 : vector<1x2000x1xf32> to vector<2000x1xf32>
    %add3A_19 = arith.addf %get3A_13, %get3A_18 : vector<2000x1xf32>
    %max3A = arith.constant 1.000000e+00 : f32
    %max3A_20 = vector.broadcast %max3A : f32 to vector<2000x1xf32>
    %max3A_21 = arith.maximumf %add3A_19, %max3A_20 : vector<2000x1xf32>
    %div3A = vector.broadcast %max3A_21 : vector<2000x1xf32> to vector<2000x128xf32>
    %div3A_22 = arith.divf %add3A, %div3A : vector<2000x128xf32>
    %get3A_23 = arith.constant 0 : index
    %get3A_24 = arith.constant 0 : index
    %get3A_25 = vector.load %arg4[%get3A_23, %get3A_24] : memref<128x128xf32, #tpu.memory_space<vmem>>, vector<128x128xf32>
    %dot_general3A = arith.constant dense<0.000000e+00> : vector<2000x128xf32>
    %dot_general3A_26 = tpu.matmul %div3A_22, %get3A_25, %dot_general3A {dimension_numbers = #tpu.dot_dimension_numbers<[1], [1], [0], [0], [0, 0, 1, 0], [], []>, precision = #tpu.contract_precision<fp32>, transpose_lhs_hint = false} : vector<2000x128xf32>, vector<128x128xf32>, vector<2000x128xf32> -> vector<2000x128xf32>
    %get3A_27 = arith.constant 0 : index
    %get3A_28 = arith.constant 0 : index
    %get3A_29 = vector.load %arg3[%get3A_27, %get3A_28] : memref<2000x128xf32, #tpu.memory_space<vmem>>, vector<2000x128xf32>
    %get3A_30 = arith.constant 0 : index
    %get3A_31 = arith.constant 0 : index
    %get3A_32 = vector.load %arg6[%get3A_30, %get3A_31] : memref<128x128xf32, #tpu.memory_space<vmem>>, vector<128x128xf32>
    %dot_general3A_33 = arith.constant dense<0.000000e+00> : vector<2000x128xf32>
    %dot_general3A_34 = tpu.matmul %get3A_29, %get3A_32, %dot_general3A_33 {dimension_numbers = #tpu.dot_dimension_numbers<[1], [1], [0], [0], [0, 0, 1, 0], [], []>, precision = #tpu.contract_precision<fp32>, transpose_lhs_hint = false} : vector<2000x128xf32>, vector<128x128xf32>, vector<2000x128xf32> -> vector<2000x128xf32>
    %add3A_35 = arith.addf %dot_general3A_26, %dot_general3A_34 : vector<2000x128xf32>
    %get3A_36 = arith.constant 0 : index
    %get3A_37 = arith.constant 0 : index
    %get3A_38 = vector.load %arg5[%get3A_36, %get3A_37] : memref<1x128xf32, #tpu.memory_space<vmem>>, vector<1x128xf32>
    %add3A_39 = vector.broadcast %get3A_38 : vector<1x128xf32> to vector<2000x128xf32>
    %add3A_40 = arith.addf %add3A_35, %add3A_39 : vector<2000x128xf32>
    %swap3A = arith.constant 0 : index
    %swap3A_41 = arith.constant 0 : index
    %swap3A_42 = vector.load %arg7[%swap3A, %swap3A_41] : memref<2000x128xf32, #tpu.memory_space<vmem>>, vector<2000x128xf32>
    tpu.vector_store %arg7[%swap3A, %swap3A_41], %add3A_40 {strides = array<i32>} : memref<2000x128xf32, #tpu.memory_space<vmem>>, vector<2000x128xf32>,
    return
  }
  func.func @transform_0(%arg0: i32) -> (i32, i32, i32) {
    %c0_i32 = arith.constant 0 : i32
    %c0_i32_0 = arith.constant 0 : i32
    %c0_i32_1 = arith.constant 0 : i32
    return %c0_i32, %arg0, %c0_i32_0 : i32, i32, i32
  }
  func.func @transform_1(%arg0: i32) -> (i32, i32, i32) {
    %c0_i32 = arith.constant 0 : i32
    %c0_i32_0 = arith.constant 0 : i32
    %c0_i32_1 = arith.constant 0 : i32
    return %c0_i32, %arg0, %c0_i32_0 : i32, i32, i32
  }
  func.func @transform_2(%arg0: i32) -> (i32, i32) {
    %c0_i32 = arith.constant 0 : i32
    %c0_i32_0 = arith.constant 0 : i32
    return %arg0, %c0_i32 : i32, i32
  }
  func.func @transform_3(%arg0: i32) -> (i32, i32) {
    %c0_i32 = arith.constant 0 : i32
    %c0_i32_0 = arith.constant 0 : i32
    %c0_i32_1 = arith.constant 0 : i32
    return %c0_i32, %c0_i32_0 : i32, i32
  }
  func.func @transform_4(%arg0: i32) -> (i32, i32) {
    %c0_i32 = arith.constant 0 : i32
    %c0_i32_0 = arith.constant 0 : i32
    %c0_i32_1 = arith.constant 0 : i32
    return %c0_i32, %c0_i32_0 : i32, i32
  }
  func.func @transform_5(%arg0: i32) -> (i32, i32) {
    %c0_i32 = arith.constant 0 : i32
    %c0_i32_0 = arith.constant 0 : i32
    %c0_i32_1 = arith.constant 0 : i32
    return %c0_i32, %c0_i32_0 : i32, i32
  }
  func.func @transform_6(%arg0: i32) -> (i32, i32) {
    %c0_i32 = arith.constant 0 : i32
    %c0_i32_0 = arith.constant 0 : i32
    return %arg0, %c0_i32 : i32, i32
  }
}

</mosaic_0001>

<sc_bundles>
// kernel: kernel.10.cloned.1.call-start
scs
__scs_entry_jumppad:
0x0: {  	(pc) =	sbr.rel $0x88, $3  }
0x1: {  	(tag) =	ssettag $0x0;
	lr =	simm.s32 $0x1  }
0x2: {  	[smem:$0x3F9C] =	sst lr;
	_ =	strace $0xD0000000  }
0x3: {  	_ = 	snop  }
0x4: {  	_ = 	snop  }
0x5: {  	_ = 	snop  }
0x6: {  	_ = 	snop  }
0x7: {  	_ = 	snop  }
__scs_overlays_trampoline_lowered:
0x8: {  	[smem:$0x3FAB] =	sst s0  }
0x9: {  	[smem:$0x3FAC] =	sst s1  }
0xa: {  	[smem:$0x3FAD] =	sst s2  }
0xb: {  	[smem:$0x3FAE] =	sst s3  }
0xc: {  	[smem:$0x3FAF] =	sst s4  }
0xd: {  	[smem:$0x3FB0] =	sst s5  }
0xe: {  	[smem:$0x3FB1] =	sst s6  }
0xf: {  	[smem:$0x3FB2] =	sst s7  }
0x10: {  	[smem:$0x3FB3] =	sst s8  }
0x11: {  	[smem:$0x3FB4] =	sst s9;
	s0 =	simm.s32 @!p0 $0x0  }
0x12: {  	s1 =	sld [smem:$0x3F9A];
	s0 =	simm.s32 @p0 $0x1  }
0x13: {  	[smem:$0x3FB5] =	sst s0;
	s0 =	simm.s32 @!p1 $0x0  }
0x14: {  	s2 =	sld [smem:$0x3F99];
	s0 =	simm.s32 @p1 $0x1  }
0x15: {  	[smem:$0x3FB6] =	sst s0;
	s0 =	simm.s32 @!p2 $0x0  }
0x16: {  	s3 =	sld [smem:$0x3FDB];
	s0 =	simm.s32 @p2 $0x1  }
0x17: {  	s4 =	simm.s32 $0x1BF5;
	[smem:$0x3FB8] =	sst s0  }
0x18: {  	s0 =	sld [smem:$0x3F9B];
	_ =	swait.ge [sflag:s4], $0x0  }
0x19: {  	s7 =	sld [smem:$0x3F9C]  }
0x1a: {  	s8 =	sadd.s32 $0xFFFFE003, lr  }
0x1b: {  	s9 =	sadd.s32 $0xFFFFFEF7, lr;
	s5 =	simm.s32 $0xFFFFFFFF;
	p2 =	slt.u32 s8, $0xFFFFF086  }
0x1c: {  	p1 =	slt.u32 s9, $0xF7A;
	s5 =	simm.s32 @!p2 $0x0  }
0x1d: {  	s5 =	simm.s32 @p1 $0x1;
	p0 =	seq.s32 s7, s2  }
0x1e: {  	s7 =	smul.u32 @!p0 $0xF7A, s2;
	p2 =	seq.s32 @!p0 s5, $0x0  }
0x1f: {  	s9 =	smul.u32 $0xF7A, s1;
	s8 =	simm.s32 @!p0 $0x1BF5;
	p2 =	por !p2, p0  }
0x20: {  	[sflag:s8] =	ssyncset.s32 @!p0 $0xFFFFF086;
	s6 =	sadd.s32 @!p0 s3, s7;
	s7 =	simm.s32 @!p0 $0x108  }
0x21: {  	s3 =	sadd.s32 s3, s9;
	s6 =	sadd.s32 @!p0 $0x88, s6;
	s7 =	simm.s32 @p2 $0x1082  }
0x22: {  	[simem:s7], [sflag:s8] =	dma.local @!p0 [hbm:s6], $0xF7A  }
0x23: {  	s9 =	sor.u32 $0xD0000000, s2;
	s6 =	simm.s32 $0x108;
	_ =	swait.ge @!p0 [sflag:s8], $0x0  }
0x24: {  	s3 =	sadd.s32 $0x88, s3;
	s6 =	simm.s32 @!p1 $0x1082;
	[sflag:s4] =	ssyncset.s32 $0xFFFFF086  }
0x25: {  	[simem:s6], [sflag:s4] =	dma.local [hbm:s3], $0xF7A  }
0x26: {  	[smem:$0x3F9C] =	sst s1;
	(tag) =	ssettag s2;
	_ =	strace s9  }
0x27: {  	s1 =	sld [smem:$0x3FAC]  }
0x28: {  	s2 =	sld [smem:$0x3FAD]  }
0x29: {  	s4 =	sld [smem:$0x3FAF]  }
0x2a: {  	p0 =	seq.s32 s5, $0x0;
	s5 =	sld [smem:$0x3FB0]  }
0x2b: {  	s6 =	sld [smem:$0x3FB1]  }
0x2c: {  	s7 =	sld [smem:$0x3FB2]  }
0x2d: {  	s3 =	simm.s32 $0x108;
	s8 =	sld [smem:$0x3FB3]  }
0x2e: {  	s3 =	simm.s32 @!p0 $0x1082;
	s9 =	sld [smem:$0x3FB4]  }
0x2f: {  	lr =	sadd.s32 s0, s3;
	s0 =	sld [smem:$0x3FAB]  }
0x30: {  	s3 =	sld [smem:$0x3FAE]  }
0x31: {  	[smem:$0x3FB7] =	sst s10  }
0x32: {  	s10 =	sld [smem:$0x3FB5];
	_ =	sdelay $0x3  }
0x33: {  	p0 =	seq.s32 s10, $0x1;
	s10 =	sld [smem:$0x3FB7];
	_ =	sdelay $0x3  }
0x34: {  	[smem:$0x3FB7] =	sst s10  }
0x35: {  	s10 =	sld [smem:$0x3FB6];
	_ =	sdelay $0x3  }
0x36: {  	p1 =	seq.s32 s10, $0x1;
	s10 =	sld [smem:$0x3FB7];
	_ =	sdelay $0x3  }
0x37: {  	[smem:$0x3FB7] =	sst s10  }
0x38: {  	s10 =	sld [smem:$0x3FB8]  }
0x39: {  	_ = 	snop;
	(pc) =	sbr.ind lr, $3  }
0x3a: {  	_ = 	snop  }
0x3b: {  	_ = 	snop  }
0x3c: {  	p2 =	seq.s32 s10, $0x1;
	s10 =	sld [smem:$0x3FB7]  }
0x3d: {  	_ =	shalt  }
0x3e: {  	_ =	shalt  }
0x3f: {  	_ =	shalt  }
0x40: {  	_ =	shalt  }
0x41: {  	_ =	shalt  }
0x42: {  	_ =	shalt  }
0x43: {  	_ =	shalt  }
0x44: {  	_ =	shalt  }
0x45: {  	_ =	shalt  }
0x46: {  	_ =	shalt  }
0x47: {  	_ =	shalt  }
0x48: {  	_ =	shalt  }
0x49: {  	_ =	shalt  }
0x4a: {  	_ =	shalt  }
0x4b: {  	_ =	shalt  }
0x4c: {  	_ =	shalt  }
0x4d: {  	_ =	shalt  }
0x4e: {  	_ =	shalt  }
0x4f: {  	_ =	shalt  }
0x50: {  	_ =	shalt  }
0x51: {  	_ =	shalt  }
0x52: {  	_ =	shalt  }
0x53: {  	_ =	shalt  }
0x54: {  	_ =	shalt  }
0x55: {  	_ =	shalt  }
0x56: {  	_ =	shalt  }
0x57: {  	_ =	shalt  }
0x58: {  	_ =	shalt  }
0x59: {  	_ =	shalt  }
0x5a: {  	_ =	shalt  }
0x5b: {  	_ =	shalt  }
0x5c: {  	_ =	shalt  }
0x5d: {  	_ =	shalt  }
0x5e: {  	_ =	shalt  }
0x5f: {  	_ =	shalt  }
0x60: {  	_ =	shalt  }
0x61: {  	_ =	shalt  }
0x62: {  	_ =	shalt  }
0x63: {  	_ =	shalt  }
0x64: {  	_ =	shalt  }
0x65: {  	_ =	shalt  }
0x66: {  	_ =	shalt  }
0x67: {  	_ =	shalt  }
0x68: {  	_ =	shalt  }
0x69: {  	_ =	shalt  }
0x6a: {  	_ =	shalt  }
0x6b: {  	_ =	shalt  }
0x6c: {  	_ =	shalt  }
0x6d: {  	_ =	shalt  }
0x6e: {  	_ =	shalt  }
0x6f: {  	_ =	shalt  }
0x70: {  	_ =	shalt  }
0x71: {  	_ =	shalt  }
0x72: {  	_ =	shalt  }
0x73: {  	_ =	shalt  }
0x74: {  	_ =	shalt  }
0x75: {  	_ =	shalt  }
0x76: {  	_ =	shalt  }
0x77: {  	_ =	shalt  }
0x78: {  	_ =	shalt  }
0x79: {  	_ =	shalt  }
0x7a: {  	_ =	shalt  }
0x7b: {  	_ =	shalt  }
0x7c: {  	_ =	shalt  }
0x7d: {  	_ =	shalt  }
0x7e: {  	_ =	shalt  }
0x7f: {  	_ =	shalt  }
0x80: {  	_ =	shalt  }
0x81: {  	_ =	shalt  }
0x82: {  	_ =	shalt  }
0x83: {  	_ =	shalt  }
0x84: {  	_ =	shalt  }
0x85: {  	_ =	shalt  }
0x86: {  	_ =	shalt  }
0x87: {  	_ =	shalt  }
.Lfunc_end0:
.L_simem_size_0:
called_computation.1_lowered:
.L_overlay_start_0:
0x88: {  	s2 =	sld [smem:$0x3FD9]  }
0x89: {  	s3 =	sld [smem:$0x3FFE];
	_ =	sdelay $0x1  }
0x8a: {  	s1 =	srdreg.scid  }
0x8b: {  	s0 =	sand.u32 $0x1, s1  }
0x8c: {  	s17 =	sshll.u32 s0, $0xA;
	s2 =	sadd.s32 s3, s2  }
0x8d: {  	s2 =	sadd.s32 s2, s17  }
0x8e: {  	[smem:$0x3FC3] =	sst s2  }
0x8f: {  	_ = 	snop  }
0x90: {  	s2 =	sld [smem:$0x3FD0];
	(tm) =	ssettm $0x1  }
0x91: {  	s18 =	sld [smem:$0x3FFB];
	_ =	sdelay $0x3  }
0x92: {  	_ =	strace s18  }
0x93: {  	s3 =	sld [smem:$0x3FFC];
	_ =	sdelay $0x3  }
0x94: {  	_ =	strace s3  }
0x95: {  	s3 =	sld [smem:$0x3FFD];
	_ =	sdelay $0x3  }
0x96: {  	_ =	strace s3  }
0x97: {  	_ =	strace $0x8FFFFFFF  }
0x98: {  	s19 =	sld [smem:$0x3FDB];
	_ =	sdelay $0x1  }
0x99: {  	s4 =	simm.s32 $_scs_section_size  }
0x9a: {  	s5 =	simm.s32 $_size__tile_overlayer_lowered;
	s6 =	simm.s32 $_tile_overlayer_lowered  }
0x9b: {  	s22 =	simm.s32 $0x1BFF;
	s21 =	sshll.u32 s6, $0x1;
	s3 =	sadd.s32 s4, s19  }
0x9c: {  	s7 =	simm.s32 $0x0;
	s20 =	sshll.u32 s5, $0x1;
	s5 =	sadd.s32 s21, s3  }
0x9d: {  	[timem:s7], [sflag:s22] =	dma.local [hbm:s5], s20  }
0x9e: {  	_ =	swait.ge [sflag:s22], s20  }
0x9f: {  	s4 =	ssub.s32 $0x0, s20;
	[sflag:s22] =	ssyncset.done $0x0  }
0xa0: {  	[sflag:s22] =	ssyncadd.s32 s4;
	_ =	sdelay $0x1  }
0xa1: {  	s23 =	simm.s32 $0x1B8B  }
0xa2: {  	_ =	swait.ge [sflag:s23], $0x1  }
0xa3: {  	[sflag:s23] =	ssyncset.done $0x0  }
0xa4: {  	s25 =	simm.s32 $0x1B8E;
	s24 =	sld [smem:$0x3FFE];
	[sflag:s23] =	ssyncadd.s32 $0xFFFFFFFF  }
0xa5: {  	s26 =	simm.s32 $execute0_lowered;
	[smem:$0x3FD2] =	sst s25  }
0xa6: {  	s5 =	sshll.u32 s26, $0x1;
	_ =	strace $0x80000046;
	[dreg:$0x1] =	wrdreg $0xFFFFFFFF  }
0xa7: {  	s28 =	simm.s32 $_size_execute0_lowered;
	s3 =	sadd.s32 s3, s5;
	[dreg:$0x0] =	wrdreg $0x0  }
0xa8: {  	s5 =	sshll.u32 s28, $0x1;
	[dreg:$0x2] =	wrdreg s3  }
0xa9: {  	[dreg:$0x3] =	wrdreg s5  }
0xaa: {  	[dreg:$0x4] =	wrdreg $0xC0  }
0xab: {  	_ =	task [dreg:s7], $0x5FFFF  }
0xac: {  	[dreg:$0x1] =	wrdreg $0xFFFFFFFF  }
0xad: {  	[dreg:$0x0] =	wrdreg $0x60  }
0xae: {  	[dreg:$0x2] =	wrdreg s24  }
0xaf: {  	[dreg:$0x3] =	wrdreg s2  }
0xb0: {  	[dreg:$0x4] =	wrdreg $0x90000  }
0xb1: {  	[dreg:$0x5] =	wrdreg $0xA  }
0xb2: {  	_ =	task.clear_ibuf [dreg:s7], $0x6FFFF;
	_ =	strace $0x90000046  }
0xb3: {  	s29 =	simm.s32 $0xA;
	_ =	strace $0x80000048  }
0xb4: {  	_ =	swait.ge [sflag:s29], $0x1  }
0xb5: {  	[sflag:s29] =	ssyncadd.s32 $0xFFFFFFFF  }
0xb6: {  	_ =	strace $0x90000048  }
0xb7: {  	_ =	sfence  }
0xb8: {  	s30 =	sld [smem:$0x0];
	_ =	sdelay $0x2  }
0xb9: {  	s31 =	sshll.u32 s1, $0xD;
	s1 =	sshrl.u32 s1, $0x2  }
0xba: {  	s3 =	sand.u32 $0x4000, s31;
	s1 =	sadd.s32 s1, s30  }
0xbb: {  	s0 =	sor.u32 s3, s0;
	s1 =	sshll.u32 s1, $0x11  }
0xbc: {  	s0 =	sor.u32 s1, s0  }
0xbd: {  	s0 =	sadd.s32 $0x8F2B, s0  }
0xbe: {  	[sflag:s0] =	ssyncadd.remote.s32 $0x1  }
0xbf: {  	_ =	sfence.sel $0xFFFF  }
0xc0: {  	[dreg:$0x0] =	wrdreg $0xFFFFFFFF;
	(pc) =	sbr.abs _section_cstart, $3  }
0xc1: {  	[dreg:$0x1] =	wrdreg $0xFFFFFFFF  }
0xc2: {  	_ =	task.clear_ibuf [dreg:s7], $0x2FFFF;
	_ =	strace $0x9FFFFFFF  }
0xc3: {  	(tm) =	ssettm $0x7FFFFFFF  }
tec
execute0_lowered:
.L_overlay_start_1:
0x0: {  	(tag) =	ssettag $0x1  }
0x1: {  	s0 =	rddreg [dreg:$0x0];
	s13 =	stileid.u32  }
0x2: {  	s1 =	srdreg.scid;
	s6 =	smul.u32 $0x2800, s13  }
0x3: {  	s4 =	rddreg [dreg:$0x1];
	s8 =	smul.u32 $0x13C00, s13  }
0x4: {  	s2 =	rddreg [dreg:$0x2];
	s3 =	simm.s32 $0x0;
	s23 =	smul.u32 $0x278, s13  }
0x5: {  	s28 =	simm.s32 $0x200;
	s29 =	simm.s32 $0x280;
	s12 =	smul.u32 $0x4F000, s13  }
0x6: {  	s30 =	simm.s32 $0x300;
	s1 =	sand.u32 $0x1, s1;
	s15 =	smul.u32 $0x2780, s13  }
0x7: {  	s31 =	simm.s32 $0x380;
	[smem:$0x7FF] =	sst s3;
	s5 =	smul.u32 $0x28000, s1  }
0x8: {  	s9 =	sadd.s32 $0x1000, s0;
	s7 =	smul.u32 $0x13C000, s1;
	s1 =	ssub.s32 $0x2, s1  }
0x9: {  	_ =	strace $0x80000047;
	s24 =	sshrl.u32 s1, $0x1;
	s25 =	sadd.s32 $0x200, s23  }
0xa: {  	s14 =	sshrl.u32 s12, $0x2;
	s17 =	sadd.s32 $0x80, s23;
	s18 =	sadd.s32 s9, s15  }
0xb: {  	s20 =	sadd.s32 $0x100, s23;
	s23 =	sadd.s32 $0x180, s23;
	s5 =	sadd.s32 s6, s5  }
0xc: {  	s22 =	sadd.s32 s8, s7;
	s11 =	sshll.u32 s25, $0x4;
	s7 =	sshll.u32 s25, $0x7  }
0xd: {  	s1 =	ssub.s32 s1, s24;
	s14 =	sadd.s32 s14, s2;
	[dreg:$0x9] =	wrdreg s18  }
0xe: {  	s19 =	sshll.u32 s17, $0x4;
	s21 =	sshll.u32 s20, $0x4;
	s24 =	sshll.u32 s20, $0x7  }
0xf: {  	s25 =	sshll.u32 s23, $0x4;
	s18 =	simm.s32 $0x1000;
	s20 =	simm.s32 $0x800  }
0x10: {  	s8 =	simm.s32 $0x680;
	s26 =	sadd.s32 s9, s11;
	[dreg:$0x7] =	wrdreg s14  }
0x11: {  	s5 =	sshrl.u32 s5, $0x3;
	s11 =	sadd.s32 s7, s2;
	[dreg:$0x4] =	wrdreg s26  }
0x12: {  	s6 =	sshrl.u32 s22, $0x3;
	s16 =	smax.u32 s1, $0x1;
	[dreg:$0x5] =	wrdreg s11  }
0x13: {  	s1 =	sadd.s32 s9, s19;
	s22 =	sadd.s32 s9, s21;
	[dreg:$0x8] =	wrdreg s16  }
0x14: {  	s19 =	simm.s32 $0x3;
	s21 =	simm.s32 $0x80;
	[dreg:$0xa] =	wrdreg s1  }
0x15: {  	s10 =	sadd.s32 s5, s0;
	s0 =	sadd.s32 s6, s0;
	[dreg:$0xc] =	wrdreg s22  }
0x16: {  	s1 =	sadd.s32 s24, s2;
	s26 =	sadd.s32 s9, s25;
	s16 =	sadd.s32 s5, s4  }
0x17: {  	s22 =	simm.s32 $0x5000;
	s24 =	simm.s32 $0x2;
	s25 =	simm.s32 $0x100  }
0x18: {  	s4 =	simm.s32 $0x500;
	s5 =	simm.s32 $0x580;
	s6 =	simm.s32 $0x600  }
0x19: {  	s9 =	simm.s32 $0x700;
	s0 =	sadd.s32 $0x33000, s0;
	[dreg:$0xd] =	wrdreg s1  }
0x1a: {  	s11 =	simm.s32 $0x0;
	[dreg:$0x6] =	wrdreg s0;
	s0 =	sshll.u32 s17, $0x7  }
0x1b: {  	[dreg:$0xe] =	wrdreg s26;
	s26 =	simm.s32 $0x180;
	s0 =	sadd.s32 s0, s2  }
0x1c: {  	s1 =	simm.s32 $0x400;
	[dreg:$0xb] =	wrdreg s0;
	s0 =	sshll.u32 s23, $0x7  }
0x1d: {  	s17 =	sadd.s32 $0x28800, s10;
	s10 =	simm.s32 $0x780;
	s0 =	sadd.s32 s0, s2  }
0x1e: {  	s23 =	simm.s32 $0x1;
	[dreg:$0xf] =	wrdreg s0;
	s0 =	simm.s32 $0x480  }
.LBB2_1:
0x1f: {  	s7 =	rddreg [dreg:$0x9]  }
0x20: {  	[tilespmem:s18], [sflag:$0x3] =	stream.linear.gather [hbm4b:s7+s3], $0x4000, $0x38;
	[tilespmem:$0x12E00] =	vst v63  }
0x21: {  	_ =	swait.ge [sflag:s19], $0x4000  }
0x22: {  	[sflag:s19] =	ssyncset.done $0x0  }
0x23: {  	[sflag:s19] =	ssyncadd.s32 $0xFFFFC000  }
0x24: {  	[spmem:s14] =	stream.linear.scatter [tilespmem:s18], [sflag:$0x3], $0x4000, $0x38;
	[tilespmem:$0x12E00] =	vst v63  }
0x25: {  	_ =	swait.ge [sflag:s19], $0x4000  }
0x26: {  	[sflag:s19] =	ssyncset.done $0x0  }
0x27: {  	s15 =	rddreg [dreg:$0xa];
	[sflag:s19] =	ssyncadd.s32 $0xFFFFC000  }
0x28: {  	[tilespmem:s18], [sflag:$0x3] =	stream.linear.gather [hbm4b:s15+s3], $0x4000, $0x38;
	[tilespmem:$0x12E00] =	vst v63  }
0x29: {  	_ =	swait.ge [sflag:s19], $0x4000  }
0x2a: {  	[sflag:s19] =	ssyncset.done $0x0  }
0x2b: {  	s12 =	rddreg [dreg:$0xb];
	[sflag:s19] =	ssyncadd.s32 $0xFFFFC000  }
0x2c: {  	[spmem:s12] =	stream.linear.scatter [tilespmem:s18], [sflag:$0x3], $0x4000, $0x38;
	[tilespmem:$0x12E00] =	vst v63  }
0x2d: {  	_ =	swait.ge [sflag:s19], $0x4000  }
0x2e: {  	[sflag:s19] =	ssyncset.done $0x0  }
0x2f: {  	s13 =	rddreg [dreg:$0xc];
	[sflag:s19] =	ssyncadd.s32 $0xFFFFC000  }
0x30: {  	[tilespmem:s18], [sflag:$0x3] =	stream.linear.gather [hbm4b:s13+s3], $0x4000, $0x38;
	[tilespmem:$0x12E00] =	vst v63  }
0x31: {  	_ =	swait.ge [sflag:s19], $0x4000  }
0x32: {  	[sflag:s19] =	ssyncset.done $0x0  }
0x33: {  	s14 =	rddreg [dreg:$0xd];
	[sflag:s19] =	ssyncadd.s32 $0xFFFFC000  }
0x34: {  	[spmem:s14] =	stream.linear.scatter [tilespmem:s18], [sflag:$0x3], $0x4000, $0x38;
	[tilespmem:$0x12E00] =	vst v63  }
0x35: {  	_ =	swait.ge [sflag:s19], $0x4000  }
0x36: {  	[sflag:s19] =	ssyncset.done $0x0  }
0x37: {  	s15 =	rddreg [dreg:$0xe];
	[sflag:s19] =	ssyncadd.s32 $0xFFFFC000  }
0x38: {  	[tilespmem:s18], [sflag:$0x3] =	stream.linear.gather [hbm4b:s15+s3], $0x4000, $0x38;
	[tilespmem:$0x12E00] =	vst v63  }
0x39: {  	_ =	swait.ge [sflag:s19], $0x4000  }
0x3a: {  	[sflag:s19] =	ssyncset.done $0x0  }
0x3b: {  	s12 =	rddreg [dreg:$0xf];
	[sflag:s19] =	ssyncadd.s32 $0xFFFFC000  }
0x3c: {  	[spmem:s12] =	stream.linear.scatter [tilespmem:s18], [sflag:$0x3], $0x4000, $0x38;
	[tilespmem:$0x12E00] =	vst v63  }
0x3d: {  	_ =	swait.ge [sflag:s19], $0x4000  }
0x3e: {  	[sflag:s19] =	ssyncset.done $0x0  }
0x3f: {  	s13 =	rddreg [dreg:$0x4];
	[sflag:s19] =	ssyncadd.s32 $0xFFFFC000  }
0x40: {  	[tilespmem:s18], [sflag:$0x3] =	stream.linear.gather [hbm4b:s13+s3], $0x3C00, $0x38;
	[tilespmem:$0x12E00] =	vst v63  }
0x41: {  	_ =	swait.ge [sflag:s19], $0x3C00  }
0x42: {  	[sflag:s19] =	ssyncset.done $0x0  }
0x43: {  	s14 =	rddreg [dreg:$0x5];
	[sflag:s19] =	ssyncadd.s32 $0xFFFFC400  }
0x44: {  	[spmem:s14] =	stream.linear.scatter [tilespmem:s18], [sflag:$0x3], $0x3C00, $0x38;
	[tilespmem:$0x12E00] =	vst v63  }
0x45: {  	_ =	swait.ge [sflag:s19], $0x3C00  }
0x46: {  	[sflag:s19] =	ssyncset.done $0x0  }
0x47: {  	[sflag:s19] =	ssyncadd.s32 $0xFFFFC400  }
0x48: {  	s12 =	sadd.s32 $0x0, s17;
	[bflag:$0x0] =	sbarrier.arrive $0xFFFF  }
0x49: {  	[tilespmem:s3], [sflag:$0x3] =	stream.linear.gather [hbm4b:s12+s3], $0x800, $0x38;
	[tilespmem:$0x12E00] =	vst v63  }
0x4a: {  	_ =	swait.ge [sflag:s19], $0x800  }
0x4b: {  	[sflag:s19] =	ssyncset.done $0x0  }
0x4c: {  	s15 =	sadd.s32 $0x0, s16;
	[sflag:s19] =	ssyncadd.s32 $0xFFFFF800  }
0x4d: {  	[tilespmem:s20], [sflag:$0x3] =	stream.linear.gather [hbm4b:s15+s3], $0x800, $0x38;
	[tilespmem:$0x12E00] =	vst v63  }
0x4e: {  	_ =	swait.ge [sflag:s19], $0x800  }
0x4f: {  	[sflag:s19] =	ssyncset.done $0x0  }
0x50: {  	[sflag:s19] =	ssyncadd.s32 $0xFFFFF800  }
0x51: {  	[tilespmem:s18], [sflag:$0x1] =	stream.indirect.gather [spmem:s2], $0x40, s3, s21, $0xb8;
	[tilespmem:$0x12E00] =	vst v63  }
0x52: {  	_ = 	snop  }
0x53: {  	[tilespmem:s22], [sflag:$0x2] =	stream.indirect.gather [spmem:s2], $0x40, s21, s21, $0xb8;
	[tilespmem:$0x12E00] =	vst v63  }
0x54: {  	_ =	swait.ge [sflag:s23], $0x2000  }
0x55: {  	[sflag:s23] =	ssyncset.done $0x0  }
0x56: {  	[sflag:s23] =	ssyncadd.s32 $0xFFFFE000  }
0x57: {  	_ =	swait.ge [sflag:s24], $0x2000  }
0x58: {  	[sflag:s24] =	ssyncset.done $0x0  }
0x59: {  	[sflag:s24] =	ssyncadd.s32 $0xFFFFE000  }
0x5a: {  	[tilespmem:s18], [sflag:$0x1] =	stream.indirect.gather [spmem:s2], $0x40, s25, s21, $0xb8;
	[tilespmem:$0x12E00] =	vst v63  }
0x5b: {  	_ = 	snop  }
0x5c: {  	[tilespmem:s22], [sflag:$0x2] =	stream.indirect.gather [spmem:s2], $0x40, s26, s21, $0xb8;
	[tilespmem:$0x12E00] =	vst v63  }
0x5d: {  	_ =	swait.ge [sflag:s23], $0x2000  }
0x5e: {  	[sflag:s23] =	ssyncset.done $0x0  }
0x5f: {  	[sflag:s23] =	ssyncadd.s32 $0xFFFFE000  }
0x60: {  	_ =	swait.ge [sflag:s24], $0x2000  }
0x61: {  	[sflag:s24] =	ssyncset.done $0x0  }
0x62: {  	[sflag:s24] =	ssyncadd.s32 $0xFFFFE000  }
0x63: {  	[tilespmem:s18], [sflag:$0x1] =	stream.indirect.gather [spmem:s2], $0x40, s28, s21, $0xb8;
	[tilespmem:$0x12E00] =	vst v63  }
0x64: {  	_ = 	snop  }
0x65: {  	[tilespmem:s22], [sflag:$0x2] =	stream.indirect.gather [spmem:s2], $0x40, s29, s21, $0xb8;
	[tilespmem:$0x12E00] =	vst v63  }
0x66: {  	_ =	swait.ge [sflag:s23], $0x2000  }
0x67: {  	[sflag:s23] =	ssyncset.done $0x0  }
0x68: {  	[sflag:s23] =	ssyncadd.s32 $0xFFFFE000  }
0x69: {  	_ =	swait.ge [sflag:s24], $0x2000  }
0x6a: {  	[sflag:s24] =	ssyncset.done $0x0  }
0x6b: {  	[sflag:s24] =	ssyncadd.s32 $0xFFFFE000  }
0x6c: {  	[tilespmem:s18], [sflag:$0x1] =	stream.indirect.gather [spmem:s2], $0x40, s30, s21, $0xb8;
	[tilespmem:$0x12E00] =	vst v63  }
0x6d: {  	_ = 	snop  }
0x6e: {  	[tilespmem:s22], [sflag:$0x2] =	stream.indirect.gather [spmem:s2], $0x40, s31, s21, $0xb8;
	[tilespmem:$0x12E00] =	vst v63  }
0x6f: {  	_ =	swait.ge [sflag:s23], $0x2000  }
0x70: {  	[sflag:s23] =	ssyncset.done $0x0  }
0x71: {  	[sflag:s23] =	ssyncadd.s32 $0xFFFFE000  }
0x72: {  	_ =	swait.ge [sflag:s24], $0x2000  }
0x73: {  	[sflag:s24] =	ssyncset.done $0x0  }
0x74: {  	[sflag:s24] =	ssyncadd.s32 $0xFFFFE000  }
0x75: {  	[tilespmem:s18], [sflag:$0x1] =	stream.indirect.gather [spmem:s2], $0x40, s1, s21, $0xb8;
	[tilespmem:$0x12E00] =	vst v63  }
0x76: {  	_ = 	snop  }
0x77: {  	[tilespmem:s22], [sflag:$0x2] =	stream.indirect.gather [spmem:s2], $0x40, s0, s21, $0xb8;
	[tilespmem:$0x12E00] =	vst v63  }
0x78: {  	_ =	swait.ge [sflag:s23], $0x2000  }
0x79: {  	[sflag:s23] =	ssyncset.done $0x0  }
0x7a: {  	[sflag:s23] =	ssyncadd.s32 $0xFFFFE000  }
0x7b: {  	_ =	swait.ge [sflag:s24], $0x2000  }
0x7c: {  	[sflag:s24] =	ssyncset.done $0x0  }
0x7d: {  	[sflag:s24] =	ssyncadd.s32 $0xFFFFE000  }
0x7e: {  	[tilespmem:s18], [sflag:$0x1] =	stream.indirect.gather [spmem:s2], $0x40, s4, s21, $0xb8;
	[tilespmem:$0x12E00] =	vst v63  }
0x7f: {  	_ = 	snop  }
0x80: {  	[tilespmem:s22], [sflag:$0x2] =	stream.indirect.gather [spmem:s2], $0x40, s5, s21, $0xb8;
	[tilespmem:$0x12E00] =	vst v63  }
0x81: {  	_ =	swait.ge [sflag:s23], $0x2000  }
0x82: {  	[sflag:s23] =	ssyncset.done $0x0  }
0x83: {  	[sflag:s23] =	ssyncadd.s32 $0xFFFFE000  }
0x84: {  	_ =	swait.ge [sflag:s24], $0x2000  }
0x85: {  	[sflag:s24] =	ssyncset.done $0x0  }
0x86: {  	[sflag:s24] =	ssyncadd.s32 $0xFFFFE000  }
0x87: {  	[tilespmem:s18], [sflag:$0x1] =	stream.indirect.gather [spmem:s2], $0x40, s6, s21, $0xb8;
	[tilespmem:$0x12E00] =	vst v63  }
0x88: {  	_ = 	snop  }
0x89: {  	[tilespmem:s22], [sflag:$0x2] =	stream.indirect.gather [spmem:s2], $0x40, s8, s21, $0xb8;
	[tilespmem:$0x12E00] =	vst v63  }
0x8a: {  	_ =	swait.ge [sflag:s23], $0x2000  }
0x8b: {  	[sflag:s23] =	ssyncset.done $0x0  }
0x8c: {  	[sflag:s23] =	ssyncadd.s32 $0xFFFFE000  }
0x8d: {  	_ =	swait.ge [sflag:s24], $0x2000  }
0x8e: {  	[sflag:s24] =	ssyncset.done $0x0  }
0x8f: {  	[sflag:s24] =	ssyncadd.s32 $0xFFFFE000  }
0x90: {  	[tilespmem:s18], [sflag:$0x1] =	stream.indirect.gather [spmem:s2], $0x40, s9, s21, $0xb8;
	[tilespmem:$0x12E00] =	vst v63  }
0x91: {  	_ = 	snop  }
0x92: {  	[tilespmem:s22], [sflag:$0x2] =	stream.indirect.gather [spmem:s2], $0x40, s10, s21, $0xb8;
	[tilespmem:$0x12E00] =	vst v63  }
0x93: {  	_ =	swait.ge [sflag:s23], $0x2000  }
0x94: {  	[sflag:s23] =	ssyncset.done $0x0  }
0x95: {  	[sflag:s23] =	ssyncadd.s32 $0xFFFFE000  }
0x96: {  	_ =	swait.ge [sflag:s24], $0x2000  }
0x97: {  	s13 =	simm.s32 $0x200;
	s12 =	simm.s32 $0x100;
	[sflag:s24] =	ssyncset.done $0x0  }
.LBB2_2:
0x98: {  	s15 =	sadd.s32 s12, s17  }
0x99: {  	[sflag:s24] =	ssyncadd.s32 $0xFFFFE000;
	s7 =	smov.u32 s13;
	s14 =	sadd.s32 $0x100, s13  }
0x9a: {  	[tilespmem:s3], [sflag:$0x3] =	stream.linear.gather [hbm4b:s15+s3], $0x800, $0x38;
	[tilespmem:$0x12E00] =	vst v63  }
0x9b: {  	p0 =	sne.s32 s13, $0x400;
	_ =	swait.ge [sflag:s19], $0x800  }
0x9c: {  	[sflag:s19] =	ssyncset.done $0x0  }
0x9d: {  	s13 =	sadd.s32 s12, s16;
	s12 =	smov.u32 s7;
	[sflag:s19] =	ssyncadd.s32 $0xFFFFF800  }
0x9e: {  	[tilespmem:s20], [sflag:$0x3] =	stream.linear.gather [hbm4b:s13+s3], $0x800, $0x38;
	[tilespmem:$0x12E00] =	vst v63  }
0x9f: {  	_ =	swait.ge [sflag:s19], $0x800  }
0xa0: {  	[sflag:s19] =	ssyncset.done $0x0  }
0xa1: {  	[sflag:s19] =	ssyncadd.s32 $0xFFFFF800  }
0xa2: {  	[tilespmem:s18], [sflag:$0x1] =	stream.indirect.gather [spmem:s2], $0x40, s3, s21, $0xb8;
	[tilespmem:$0x12E00] =	vst v63  }
0xa3: {  	_ = 	snop  }
0xa4: {  	[tilespmem:s22], [sflag:$0x2] =	stream.indirect.gather [spmem:s2], $0x40, s21, s21, $0xb8;
	[tilespmem:$0x12E00] =	vst v63  }
0xa5: {  	_ =	swait.ge [sflag:s23], $0x2000  }
0xa6: {  	[sflag:s23] =	ssyncset.done $0x0  }
0xa7: {  	[sflag:s23] =	ssyncadd.s32 $0xFFFFE000  }
0xa8: {  	_ =	swait.ge [sflag:s24], $0x2000  }
0xa9: {  	[sflag:s24] =	ssyncset.done $0x0  }
0xaa: {  	[sflag:s24] =	ssyncadd.s32 $0xFFFFE000  }
0xab: {  	[tilespmem:s18], [sflag:$0x1] =	stream.indirect.gather [spmem:s2], $0x40, s25, s21, $0xb8;
	[tilespmem:$0x12E00] =	vst v63  }
0xac: {  	_ = 	snop  }
0xad: {  	[tilespmem:s22], [sflag:$0x2] =	stream.indirect.gather [spmem:s2], $0x40, s26, s21, $0xb8;
	[tilespmem:$0x12E00] =	vst v63  }
0xae: {  	_ =	swait.ge [sflag:s23], $0x2000  }
0xaf: {  	[sflag:s23] =	ssyncset.done $0x0  }
0xb0: {  	[sflag:s23] =	ssyncadd.s32 $0xFFFFE000  }
0xb1: {  	_ =	swait.ge [sflag:s24], $0x2000  }
0xb2: {  	[sflag:s24] =	ssyncset.done $0x0  }
0xb3: {  	[sflag:s24] =	ssyncadd.s32 $0xFFFFE000  }
0xb4: {  	[tilespmem:s18], [sflag:$0x1] =	stream.indirect.gather [spmem:s2], $0x40, s28, s21, $0xb8;
	[tilespmem:$0x12E00] =	vst v63  }
0xb5: {  	_ = 	snop  }
0xb6: {  	[tilespmem:s22], [sflag:$0x2] =	stream.indirect.gather [spmem:s2], $0x40, s29, s21, $0xb8;
	[tilespmem:$0x12E00] =	vst v63  }
0xb7: {  	_ =	swait.ge [sflag:s23], $0x2000  }
0xb8: {  	[sflag:s23] =	ssyncset.done $0x0  }
0xb9: {  	[sflag:s23] =	ssyncadd.s32 $0xFFFFE000  }
0xba: {  	_ =	swait.ge [sflag:s24], $0x2000  }
0xbb: {  	[sflag:s24] =	ssyncset.done $0x0  }
0xbc: {  	[sflag:s24] =	ssyncadd.s32 $0xFFFFE000  }
0xbd: {  	[tilespmem:s18], [sflag:$0x1] =	stream.indirect.gather [spmem:s2], $0x40, s30, s21, $0xb8;
	[tilespmem:$0x12E00] =	vst v63  }
0xbe: {  	_ = 	snop  }
0xbf: {  	[tilespmem:s22], [sflag:$0x2] =	stream.indirect.gather [spmem:s2], $0x40, s31, s21, $0xb8;
	[tilespmem:$0x12E00] =	vst v63  }
0xc0: {  	_ =	swait.ge [sflag:s23], $0x2000  }
0xc1: {  	[sflag:s23] =	ssyncset.done $0x0  }
0xc2: {  	[sflag:s23] =	ssyncadd.s32 $0xFFFFE000  }
0xc3: {  	_ =	swait.ge [sflag:s24], $0x2000  }
0xc4: {  	[sflag:s24] =	ssyncset.done $0x0  }
0xc5: {  	[sflag:s24] =	ssyncadd.s32 $0xFFFFE000  }
0xc6: {  	[tilespmem:s18], [sflag:$0x1] =	stream.indirect.gather [spmem:s2], $0x40, s1, s21, $0xb8;
	[tilespmem:$0x12E00] =	vst v63  }
0xc7: {  	_ = 	snop  }
0xc8: {  	[tilespmem:s22], [sflag:$0x2] =	stream.indirect.gather [spmem:s2], $0x40, s0, s21, $0xb8;
	[tilespmem:$0x12E00] =	vst v63  }
0xc9: {  	_ =	swait.ge [sflag:s23], $0x2000  }
0xca: {  	[sflag:s23] =	ssyncset.done $0x0  }
0xcb: {  	[sflag:s23] =	ssyncadd.s32 $0xFFFFE000  }
0xcc: {  	_ =	swait.ge [sflag:s24], $0x2000  }
0xcd: {  	[sflag:s24] =	ssyncset.done $0x0  }
0xce: {  	[sflag:s24] =	ssyncadd.s32 $0xFFFFE000  }
0xcf: {  	[tilespmem:s18], [sflag:$0x1] =	stream.indirect.gather [spmem:s2], $0x40, s4, s21, $0xb8;
	[tilespmem:$0x12E00] =	vst v63  }
0xd0: {  	_ = 	snop  }
0xd1: {  	[tilespmem:s22], [sflag:$0x2] =	stream.indirect.gather [spmem:s2], $0x40, s5, s21, $0xb8;
	[tilespmem:$0x12E00] =	vst v63  }
0xd2: {  	_ =	swait.ge [sflag:s23], $0x2000  }
0xd3: {  	[sflag:s23] =	ssyncset.done $0x0  }
0xd4: {  	[sflag:s23] =	ssyncadd.s32 $0xFFFFE000  }
0xd5: {  	_ =	swait.ge [sflag:s24], $0x2000  }
0xd6: {  	[sflag:s24] =	ssyncset.done $0x0  }
0xd7: {  	[sflag:s24] =	ssyncadd.s32 $0xFFFFE000  }
0xd8: {  	[tilespmem:s18], [sflag:$0x1] =	stream.indirect.gather [spmem:s2], $0x40, s6, s21, $0xb8;
	[tilespmem:$0x12E00] =	vst v63  }
0xd9: {  	_ = 	snop  }
0xda: {  	[tilespmem:s22], [sflag:$0x2] =	stream.indirect.gather [spmem:s2], $0x40, s8, s21, $0xb8;
	[tilespmem:$0x12E00] =	vst v63  }
0xdb: {  	_ =	swait.ge [sflag:s23], $0x2000  }
0xdc: {  	[sflag:s23] =	ssyncset.done $0x0  }
0xdd: {  	[sflag:s23] =	ssyncadd.s32 $0xFFFFE000  }
0xde: {  	_ =	swait.ge [sflag:s24], $0x2000  }
0xdf: {  	[sflag:s24] =	ssyncset.done $0x0  }
0xe0: {  	[sflag:s24] =	ssyncadd.s32 $0xFFFFE000  }
0xe1: {  	[tilespmem:s18], [sflag:$0x1] =	stream.indirect.gather [spmem:s2], $0x40, s9, s21, $0xb8;
	[tilespmem:$0x12E00] =	vst v63  }
0xe2: {  	_ = 	snop  }
0xe3: {  	[tilespmem:s22], [sflag:$0x2] =	stream.indirect.gather [spmem:s2], $0x40, s10, s21, $0xb8;
	[tilespmem:$0x12E00] =	vst v63  }
.Ltmp0:
0xe4: {  	_ =	swait.ge [sflag:s23], $0x2000;
	(pc) =	sbr.rel @p0 .LBB2_2-.Ltmp0, $4  }
0xe5: {  	[sflag:s23] =	ssyncset.done $0x0  }
0xe6: {  	[sflag:s23] =	ssyncadd.s32 $0xFFFFE000  }
0xe7: {  	_ =	swait.ge [sflag:s24], $0x2000  }
0xe8: {  	s13 =	smov.u32 s14;
	[sflag:s24] =	ssyncset.done $0x0  }
0xe9: {  	s7 =	sadd.s32 s12, s17;
	[sflag:s24] =	ssyncadd.s32 $0xFFFFE000  }
0xea: {  	[tilespmem:s3], [sflag:$0x3] =	stream.linear.gather [hbm4b:s7+s3], $0x800, $0x38;
	[tilespmem:$0x12E00] =	vst v63  }
0xeb: {  	_ =	swait.ge [sflag:s19], $0x800  }
0xec: {  	[sflag:s19] =	ssyncset.done $0x0  }
0xed: {  	s13 =	sadd.s32 s12, s16;
	[sflag:s19] =	ssyncadd.s32 $0xFFFFF800  }
0xee: {  	[tilespmem:s20], [sflag:$0x3] =	stream.linear.gather [hbm4b:s13+s3], $0x800, $0x38;
	[tilespmem:$0x12E00] =	vst v63  }
0xef: {  	_ =	swait.ge [sflag:s19], $0x800  }
0xf0: {  	[sflag:s19] =	ssyncset.done $0x0  }
0xf1: {  	[sflag:s19] =	ssyncadd.s32 $0xFFFFF800  }
0xf2: {  	[tilespmem:s18], [sflag:$0x1] =	stream.indirect.gather [spmem:s2], $0x40, s3, s21, $0xb8;
	[tilespmem:$0x12E00] =	vst v63  }
0xf3: {  	_ = 	snop  }
0xf4: {  	[tilespmem:s22], [sflag:$0x2] =	stream.indirect.gather [spmem:s2], $0x40, s21, s21, $0xb8;
	[tilespmem:$0x12E00] =	vst v63  }
0xf5: {  	_ =	swait.ge [sflag:s23], $0x2000  }
0xf6: {  	[sflag:s23] =	ssyncset.done $0x0  }
0xf7: {  	[sflag:s23] =	ssyncadd.s32 $0xFFFFE000  }
0xf8: {  	_ =	swait.ge [sflag:s24], $0x2000  }
0xf9: {  	[sflag:s24] =	ssyncset.done $0x0  }
0xfa: {  	[sflag:s24] =	ssyncadd.s32 $0xFFFFE000  }
0xfb: {  	[tilespmem:s18], [sflag:$0x1] =	stream.indirect.gather [spmem:s2], $0x40, s25, s21, $0xb8;
	[tilespmem:$0x12E00] =	vst v63  }
0xfc: {  	_ = 	snop  }
0xfd: {  	[tilespmem:s22], [sflag:$0x2] =	stream.indirect.gather [spmem:s2], $0x40, s26, s21, $0xb8;
	[tilespmem:$0x12E00] =	vst v63  }
0xfe: {  	_ =	swait.ge [sflag:s23], $0x2000  }
0xff: {  	[sflag:s23] =	ssyncset.done $0x0  }
0x100: {  	[sflag:s23] =	ssyncadd.s32 $0xFFFFE000  }
0x101: {  	_ =	swait.ge [sflag:s24], $0x2000  }
0x102: {  	[sflag:s24] =	ssyncset.done $0x0  }
0x103: {  	[sflag:s24] =	ssyncadd.s32 $0xFFFFE000  }
0x104: {  	[tilespmem:s18], [sflag:$0x1] =	stream.indirect.gather [spmem:s2], $0x40, s28, s21, $0xb8;
	[tilespmem:$0x12E00] =	vst v63  }
0x105: {  	_ = 	snop  }
0x106: {  	[tilespmem:s22], [sflag:$0x2] =	stream.indirect.gather [spmem:s2], $0x40, s29, s21, $0xb8;
	[tilespmem:$0x12E00] =	vst v63  }
0x107: {  	_ =	swait.ge [sflag:s23], $0x2000  }
0x108: {  	[sflag:s23] =	ssyncset.done $0x0  }
0x109: {  	[sflag:s23] =	ssyncadd.s32 $0xFFFFE000  }
0x10a: {  	_ =	swait.ge [sflag:s24], $0x2000  }
0x10b: {  	[sflag:s24] =	ssyncset.done $0x0  }
0x10c: {  	[sflag:s24] =	ssyncadd.s32 $0xFFFFE000  }
0x10d: {  	[tilespmem:s18], [sflag:$0x1] =	stream.indirect.gather [spmem:s2], $0x40, s30, s21, $0xb8;
	[tilespmem:$0x12E00] =	vst v63  }
0x10e: {  	_ = 	snop  }
0x10f: {  	[tilespmem:s22], [sflag:$0x2] =	stream.indirect.gather [spmem:s2], $0x40, s31, s21, $0xb8;
	[tilespmem:$0x12E00] =	vst v63  }
0x110: {  	_ =	swait.ge [sflag:s23], $0x2000  }
0x111: {  	[sflag:s23] =	ssyncset.done $0x0  }
0x112: {  	[sflag:s23] =	ssyncadd.s32 $0xFFFFE000  }
0x113: {  	_ =	swait.ge [sflag:s24], $0x2000  }
0x114: {  	[sflag:s24] =	ssyncset.done $0x0  }
0x115: {  	[sflag:s24] =	ssyncadd.s32 $0xFFFFE000  }
0x116: {  	[tilespmem:s18], [sflag:$0x1] =	stream.indirect.gather [spmem:s2], $0x40, s1, s21, $0xb8;
	[tilespmem:$0x12E00] =	vst v63  }
0x117: {  	_ = 	snop  }
0x118: {  	[tilespmem:s22], [sflag:$0x2] =	stream.indirect.gather [spmem:s2], $0x40, s0, s21, $0xb8;
	[tilespmem:$0x12E00] =	vst v63  }
0x119: {  	_ =	swait.ge [sflag:s23], $0x2000  }
0x11a: {  	[sflag:s23] =	ssyncset.done $0x0  }
0x11b: {  	[sflag:s23] =	ssyncadd.s32 $0xFFFFE000  }
0x11c: {  	_ =	swait.ge [sflag:s24], $0x2000  }
0x11d: {  	[sflag:s24] =	ssyncset.done $0x0  }
0x11e: {  	[sflag:s24] =	ssyncadd.s32 $0xFFFFE000  }
0x11f: {  	[tilespmem:s18], [sflag:$0x1] =	stream.indirect.gather [spmem:s2], $0x40, s4, s21, $0xb8;
	[tilespmem:$0x12E00] =	vst v63  }
0x120: {  	_ = 	snop  }
0x121: {  	[tilespmem:s22], [sflag:$0x2] =	stream.indirect.gather [spmem:s2], $0x40, s5, s21, $0xb8;
	[tilespmem:$0x12E00] =	vst v63  }
0x122: {  	_ =	swait.ge [sflag:s23], $0x2000  }
0x123: {  	[sflag:s23] =	ssyncset.done $0x0  }
0x124: {  	[sflag:s23] =	ssyncadd.s32 $0xFFFFE000  }
0x125: {  	_ =	swait.ge [sflag:s24], $0x2000  }
0x126: {  	[sflag:s24] =	ssyncset.done $0x0  }
0x127: {  	[sflag:s24] =	ssyncadd.s32 $0xFFFFE000  }
0x128: {  	[tilespmem:s18], [sflag:$0x1] =	stream.indirect.gather [spmem:s2], $0x40, s6, s21, $0xb8;
	[tilespmem:$0x12E00] =	vst v63  }
0x129: {  	_ = 	snop  }
0x12a: {  	[tilespmem:s22], [sflag:$0x2] =	stream.indirect.gather [spmem:s2], $0x40, s8, s21, $0xb8;
	[tilespmem:$0x12E00] =	vst v63  }
0x12b: {  	_ =	swait.ge [sflag:s23], $0x2000  }
0x12c: {  	[sflag:s23] =	ssyncset.done $0x0  }
0x12d: {  	[sflag:s23] =	ssyncadd.s32 $0xFFFFE000  }
0x12e: {  	_ =	swait.ge [sflag:s24], $0x2000  }
0x12f: {  	[sflag:s24] =	ssyncset.done $0x0  }
0x130: {  	[sflag:s24] =	ssyncadd.s32 $0xFFFFE000  }
0x131: {  	[tilespmem:s18], [sflag:$0x1] =	stream.indirect.gather [spmem:s2], $0x40, s9, s21, $0xb8;
	[tilespmem:$0x12E00] =	vst v63  }
0x132: {  	_ = 	snop  }
0x133: {  	[tilespmem:s22], [sflag:$0x2] =	stream.indirect.gather [spmem:s2], $0x40, s10, s21, $0xb8;
	[tilespmem:$0x12E00] =	vst v63  }
0x134: {  	_ =	swait.ge [sflag:s23], $0x2000  }
0x135: {  	[sflag:s23] =	ssyncset.done $0x0  }
0x136: {  	[sflag:s23] =	ssyncadd.s32 $0xFFFFE000  }
0x137: {  	_ =	swait.ge [sflag:s24], $0x2000  }
0x138: {  	[sflag:s24] =	ssyncset.done $0x0  }
0x139: {  	[sflag:s24] =	ssyncadd.s32 $0xFFFFE000  }
0x13a: {  	s14 =	stileid.u32;
	[bflag:$0x0] =	sbarrier.arrive $0xFFFF  }
0x13b: {  	s7 =	sshll.u32 s14, $0x6;
	s14 =	rddreg [dreg:$0x7]  }
0x13c: {  	s7 =	sor.u32 $0x1C03, s7;
	s13 =	rddreg [dreg:$0x6];
	s15 =	sshrl.u32 s14, $0x3  }
0x13d: {  	[hbm:s13], [sflag:s7] =	dma.local [spmem:s15], $0x2780  }
0x13e: {  	_ =	swait.ge [sflag:s19], $0x2780  }
0x13f: {  	s11 =	sadd.s32 $0x1, s11;
	s15 =	rddreg [dreg:$0x8]  }
0x140: {  	p0 =	sne.s32 s11, s15  }
.Ltmp1:
0x141: {  	_ = 	snop;
	(pc) =	sbr.rel @p0 .LBB2_1-.Ltmp1, $3  }
0x142: {  	_ =	sdelay $0x1  }
0x143: {  	[sflag:s19] =	ssyncset.done $0x0  }
0x144: {  	[sflag:s19] =	ssyncadd.s32 $0xFFFFD880  }
0x145: {  	_ =	sfence.sel $0x180000  }
0x146: {  	[bflag:$0x0] =	sbarrier.arrive $0xFFFF  }
0x147: {  	_ =	strace $0x90000047  }
0x148: {  	s0 =	stileid.u32;
	[bflag:$0x2] =	sbarrier.arrive $0xFFFF  }
0x149: {  	p0 =	sne.s32 s0, $0x0;
	s0 =	rddreg [dreg:$0x3]  }
0x14a: {  	s0 =	sadd.s32 @!p0 $0x100000, s0  }
0x14b: {  	[sflag:s0] =	ssyncadd.tile.s32 @!p0 $0x1;
	_ =	shalt  }
.Lfunc_end2:
_tile_overlayer_lowered:
.L_overlay_start_2:
0x14c: {  	(tag) =	ssettag $0x2  }
0x14d: {  	s0 =	rddreg [dreg:$0x0];
	s2 =	stileid.u32  }
0x14e: {  	s1 =	rddreg [dreg:$0x1];
	p0 =	sne.s32 s2, $0x0  }
0x14f: {  	s3 =	rddreg [dreg:$0x2];
	[bflag:$0x3] =	sbarrier.arrive $0xFFFF;
	s2 =	simm.s32 @!p0 $0x1C03  }
0x150: {  	[timem:s3], [sflag:s2] =	dma.local @!p0 [hbm:s0], s1  }
0x151: {  	s0 =	simm.s32 @!p0 $0x3  }
0x152: {  	_ =	swait.ge @!p0 [sflag:s0], s1  }
0x153: {  	s1 =	ssub.s32 @!p0 $0x0, s1;
	[sflag:s0] =	ssyncset.done @!p0 $0x0  }
0x154: {  	[sflag:s0] =	ssyncadd.s32 @!p0 s1  }
0x155: {  	[bflag:$0x3] =	sbarrier.arrive $0xFFFF  }
0x156: {  	_ =	shalt  }

// kernel: kernel.13.cloned.1.call-start
scs
__scs_entry_jumppad:
0x0: {  	(pc) =	sbr.rel $0x88, $3  }
0x1: {  	(tag) =	ssettag $0x0;
	lr =	simm.s32 $0x1  }
0x2: {  	[smem:$0x3F9C] =	sst lr;
	_ =	strace $0xD0000000  }
0x3: {  	_ = 	snop  }
0x4: {  	_ = 	snop  }
0x5: {  	_ = 	snop  }
0x6: {  	_ = 	snop  }
0x7: {  	_ = 	snop  }
__scs_overlays_trampoline_lowered:
0x8: {  	[smem:$0x3FAB] =	sst s0  }
0x9: {  	[smem:$0x3FAC] =	sst s1  }
0xa: {  	[smem:$0x3FAD] =	sst s2  }
0xb: {  	[smem:$0x3FAE] =	sst s3  }
0xc: {  	[smem:$0x3FAF] =	sst s4  }
0xd: {  	[smem:$0x3FB0] =	sst s5  }
0xe: {  	[smem:$0x3FB1] =	sst s6  }
0xf: {  	[smem:$0x3FB2] =	sst s7  }
0x10: {  	[smem:$0x3FB3] =	sst s8  }
0x11: {  	[smem:$0x3FB4] =	sst s9;
	s0 =	simm.s32 @!p0 $0x0  }
0x12: {  	s1 =	sld [smem:$0x3F9A];
	s0 =	simm.s32 @p0 $0x1  }
0x13: {  	[smem:$0x3FB5] =	sst s0;
	s0 =	simm.s32 @!p1 $0x0  }
0x14: {  	s2 =	sld [smem:$0x3F99];
	s0 =	simm.s32 @p1 $0x1  }
0x15: {  	[smem:$0x3FB6] =	sst s0;
	s0 =	simm.s32 @!p2 $0x0  }
0x16: {  	s3 =	sld [smem:$0x3FDB];
	s0 =	simm.s32 @p2 $0x1  }
0x17: {  	s4 =	simm.s32 $0x1BF5;
	[smem:$0x3FB8] =	sst s0  }
0x18: {  	s0 =	sld [smem:$0x3F9B];
	_ =	swait.ge [sflag:s4], $0x0  }
0x19: {  	s7 =	sld [smem:$0x3F9C]  }
0x1a: {  	s8 =	sadd.s32 $0xFFFFE003, lr  }
0x1b: {  	s9 =	sadd.s32 $0xFFFFFEF7, lr;
	s5 =	simm.s32 $0xFFFFFFFF;
	p2 =	slt.u32 s8, $0xFFFFF086  }
0x1c: {  	p1 =	slt.u32 s9, $0xF7A;
	s5 =	simm.s32 @!p2 $0x0  }
0x1d: {  	s5 =	simm.s32 @p1 $0x1;
	p0 =	seq.s32 s7, s2  }
0x1e: {  	s7 =	smul.u32 @!p0 $0xF7A, s2;
	p2 =	seq.s32 @!p0 s5, $0x0  }
0x1f: {  	s9 =	smul.u32 $0xF7A, s1;
	s8 =	simm.s32 @!p0 $0x1BF5;
	p2 =	por !p2, p0  }
0x20: {  	[sflag:s8] =	ssyncset.s32 @!p0 $0xFFFFF086;
	s6 =	sadd.s32 @!p0 s3, s7;
	s7 =	simm.s32 @!p0 $0x108  }
0x21: {  	s3 =	sadd.s32 s3, s9;
	s6 =	sadd.s32 @!p0 $0x88, s6;
	s7 =	simm.s32 @p2 $0x1082  }
0x22: {  	[simem:s7], [sflag:s8] =	dma.local @!p0 [hbm:s6], $0xF7A  }
0x23: {  	s9 =	sor.u32 $0xD0000000, s2;
	s6 =	simm.s32 $0x108;
	_ =	swait.ge @!p0 [sflag:s8], $0x0  }
0x24: {  	s3 =	sadd.s32 $0x88, s3;
	s6 =	simm.s32 @!p1 $0x1082;
	[sflag:s4] =	ssyncset.s32 $0xFFFFF086  }
0x25: {  	[simem:s6], [sflag:s4] =	dma.local [hbm:s3], $0xF7A  }
0x26: {  	[smem:$0x3F9C] =	sst s1;
	(tag) =	ssettag s2;
	_ =	strace s9  }
0x27: {  	s1 =	sld [smem:$0x3FAC]  }
0x28: {  	s2 =	sld [smem:$0x3FAD]  }
0x29: {  	s4 =	sld [smem:$0x3FAF]  }
0x2a: {  	p0 =	seq.s32 s5, $0x0;
	s5 =	sld [smem:$0x3FB0]  }
0x2b: {  	s6 =	sld [smem:$0x3FB1]  }
0x2c: {  	s7 =	sld [smem:$0x3FB2]  }
0x2d: {  	s3 =	simm.s32 $0x108;
	s8 =	sld [smem:$0x3FB3]  }
0x2e: {  	s3 =	simm.s32 @!p0 $0x1082;
	s9 =	sld [smem:$0x3FB4]  }
0x2f: {  	lr =	sadd.s32 s0, s3;
	s0 =	sld [smem:$0x3FAB]  }
0x30: {  	s3 =	sld [smem:$0x3FAE]  }
0x31: {  	[smem:$0x3FB7] =	sst s10  }
0x32: {  	s10 =	sld [smem:$0x3FB5];
	_ =	sdelay $0x3  }
0x33: {  	p0 =	seq.s32 s10, $0x1;
	s10 =	sld [smem:$0x3FB7];
	_ =	sdelay $0x3  }
0x34: {  	[smem:$0x3FB7] =	sst s10  }
0x35: {  	s10 =	sld [smem:$0x3FB6];
	_ =	sdelay $0x3  }
0x36: {  	p1 =	seq.s32 s10, $0x1;
	s10 =	sld [smem:$0x3FB7];
	_ =	sdelay $0x3  }
0x37: {  	[smem:$0x3FB7] =	sst s10  }
0x38: {  	s10 =	sld [smem:$0x3FB8]  }
0x39: {  	_ = 	snop;
	(pc) =	sbr.ind lr, $3  }
0x3a: {  	_ = 	snop  }
0x3b: {  	_ = 	snop  }
0x3c: {  	p2 =	seq.s32 s10, $0x1;
	s10 =	sld [smem:$0x3FB7]  }
0x3d: {  	_ =	shalt  }
0x3e: {  	_ =	shalt  }
0x3f: {  	_ =	shalt  }
0x40: {  	_ =	shalt  }
0x41: {  	_ =	shalt  }
0x42: {  	_ =	shalt  }
0x43: {  	_ =	shalt  }
0x44: {  	_ =	shalt  }
0x45: {  	_ =	shalt  }
0x46: {  	_ =	shalt  }
0x47: {  	_ =	shalt  }
0x48: {  	_ =	shalt  }
0x49: {  	_ =	shalt  }
0x4a: {  	_ =	shalt  }
0x4b: {  	_ =	shalt  }
0x4c: {  	_ =	shalt  }
0x4d: {  	_ =	shalt  }
0x4e: {  	_ =	shalt  }
0x4f: {  	_ =	shalt  }
0x50: {  	_ =	shalt  }
0x51: {  	_ =	shalt  }
0x52: {  	_ =	shalt  }
0x53: {  	_ =	shalt  }
0x54: {  	_ =	shalt  }
0x55: {  	_ =	shalt  }
0x56: {  	_ =	shalt  }
0x57: {  	_ =	shalt  }
0x58: {  	_ =	shalt  }
0x59: {  	_ =	shalt  }
0x5a: {  	_ =	shalt  }
0x5b: {  	_ =	shalt  }
0x5c: {  	_ =	shalt  }
0x5d: {  	_ =	shalt  }
0x5e: {  	_ =	shalt  }
0x5f: {  	_ =	shalt  }
0x60: {  	_ =	shalt  }
0x61: {  	_ =	shalt  }
0x62: {  	_ =	shalt  }
0x63: {  	_ =	shalt  }
0x64: {  	_ =	shalt  }
0x65: {  	_ =	shalt  }
0x66: {  	_ =	shalt  }
0x67: {  	_ =	shalt  }
0x68: {  	_ =	shalt  }
0x69: {  	_ =	shalt  }
0x6a: {  	_ =	shalt  }
0x6b: {  	_ =	shalt  }
0x6c: {  	_ =	shalt  }
0x6d: {  	_ =	shalt  }
0x6e: {  	_ =	shalt  }
0x6f: {  	_ =	shalt  }
0x70: {  	_ =	shalt  }
0x71: {  	_ =	shalt  }
0x72: {  	_ =	shalt  }
0x73: {  	_ =	shalt  }
0x74: {  	_ =	shalt  }
0x75: {  	_ =	shalt  }
0x76: {  	_ =	shalt  }
0x77: {  	_ =	shalt  }
0x78: {  	_ =	shalt  }
0x79: {  	_ =	shalt  }
0x7a: {  	_ =	shalt  }
0x7b: {  	_ =	shalt  }
0x7c: {  	_ =	shalt  }
0x7d: {  	_ =	shalt  }
0x7e: {  	_ =	shalt  }
0x7f: {  	_ =	shalt  }
0x80: {  	_ =	shalt  }
0x81: {  	_ =	shalt  }
0x82: {  	_ =	shalt  }
0x83: {  	_ =	shalt  }
0x84: {  	_ =	shalt  }
0x85: {  	_ =	shalt  }
0x86: {  	_ =	shalt  }
0x87: {  	_ =	shalt  }
.Lfunc_end0:
.L_simem_size_0:
called_computation.2_lowered:
.L_overlay_start_0:
0x88: {  	s2 =	sld [smem:$0x3FD9]  }
0x89: {  	s3 =	sld [smem:$0x3FFE];
	_ =	sdelay $0x1  }
0x8a: {  	s1 =	srdreg.scid  }
0x8b: {  	s0 =	sand.u32 $0x1, s1  }
0x8c: {  	s17 =	sshll.u32 s0, $0xA;
	s2 =	sadd.s32 s3, s2  }
0x8d: {  	s2 =	sadd.s32 s2, s17  }
0x8e: {  	[smem:$0x3FC3] =	sst s2  }
0x8f: {  	_ = 	snop  }
0x90: {  	s2 =	sld [smem:$0x3FD0];
	(tm) =	ssettm $0x1  }
0x91: {  	s18 =	sld [smem:$0x3FFB];
	_ =	sdelay $0x3  }
0x92: {  	_ =	strace s18  }
0x93: {  	s3 =	sld [smem:$0x3FFC];
	_ =	sdelay $0x3  }
0x94: {  	_ =	strace s3  }
0x95: {  	s3 =	sld [smem:$0x3FFD];
	_ =	sdelay $0x3  }
0x96: {  	_ =	strace s3  }
0x97: {  	_ =	strace $0x8FFFFFFF  }
0x98: {  	s19 =	sld [smem:$0x3FDB];
	_ =	sdelay $0x1  }
0x99: {  	s4 =	simm.s32 $_scs_section_size  }
0x9a: {  	s5 =	simm.s32 $_size__tile_overlayer_lowered;
	s6 =	simm.s32 $_tile_overlayer_lowered  }
0x9b: {  	s22 =	simm.s32 $0x1BFF;
	s21 =	sshll.u32 s6, $0x1;
	s3 =	sadd.s32 s4, s19  }
0x9c: {  	s7 =	simm.s32 $0x0;
	s20 =	sshll.u32 s5, $0x1;
	s5 =	sadd.s32 s21, s3  }
0x9d: {  	[timem:s7], [sflag:s22] =	dma.local [hbm:s5], s20  }
0x9e: {  	_ =	swait.ge [sflag:s22], s20  }
0x9f: {  	s4 =	ssub.s32 $0x0, s20;
	[sflag:s22] =	ssyncset.done $0x0  }
0xa0: {  	[sflag:s22] =	ssyncadd.s32 s4;
	_ =	sdelay $0x1  }
0xa1: {  	s23 =	simm.s32 $0x1B8B  }
0xa2: {  	_ =	swait.ge [sflag:s23], $0x1  }
0xa3: {  	[sflag:s23] =	ssyncset.done $0x0  }
0xa4: {  	s25 =	simm.s32 $0x1B8E;
	s24 =	sld [smem:$0x3FFE];
	[sflag:s23] =	ssyncadd.s32 $0xFFFFFFFF  }
0xa5: {  	s26 =	simm.s32 $execute0_lowered;
	[smem:$0x3FD2] =	sst s25  }
0xa6: {  	s5 =	sshll.u32 s26, $0x1;
	_ =	strace $0x8000004C;
	[dreg:$0x1] =	wrdreg $0xFFFFFFFF  }
0xa7: {  	s28 =	simm.s32 $_size_execute0_lowered;
	s3 =	sadd.s32 s3, s5;
	[dreg:$0x0] =	wrdreg $0x0  }
0xa8: {  	s5 =	sshll.u32 s28, $0x1;
	[dreg:$0x2] =	wrdreg s3  }
0xa9: {  	[dreg:$0x3] =	wrdreg s5  }
0xaa: {  	[dreg:$0x4] =	wrdreg $0xC0  }
0xab: {  	_ =	task [dreg:s7], $0x5FFFF  }
0xac: {  	[dreg:$0x1] =	wrdreg $0xFFFFFFFF  }
0xad: {  	[dreg:$0x0] =	wrdreg $0x60  }
0xae: {  	[dreg:$0x2] =	wrdreg s24  }
0xaf: {  	[dreg:$0x3] =	wrdreg s2  }
0xb0: {  	[dreg:$0x4] =	wrdreg $0x90000  }
0xb1: {  	[dreg:$0x5] =	wrdreg $0x9  }
0xb2: {  	_ =	task.clear_ibuf [dreg:s7], $0x6FFFF;
	_ =	strace $0x9000004C  }
0xb3: {  	s29 =	simm.s32 $0x9;
	_ =	strace $0x8000004E  }
0xb4: {  	_ =	swait.ge [sflag:s29], $0x1  }
0xb5: {  	[sflag:s29] =	ssyncadd.s32 $0xFFFFFFFF  }
0xb6: {  	_ =	strace $0x9000004E  }
0xb7: {  	_ =	sfence  }
0xb8: {  	s30 =	sld [smem:$0x0];
	_ =	sdelay $0x2  }
0xb9: {  	s31 =	sshll.u32 s1, $0xD;
	s1 =	sshrl.u32 s1, $0x2  }
0xba: {  	s3 =	sand.u32 $0x4000, s31;
	s1 =	sadd.s32 s1, s30  }
0xbb: {  	s0 =	sor.u32 s3, s0;
	s1 =	sshll.u32 s1, $0x11  }
0xbc: {  	s0 =	sor.u32 s1, s0  }
0xbd: {  	s0 =	sadd.s32 $0x8F2B, s0  }
0xbe: {  	[sflag:s0] =	ssyncadd.remote.s32 $0x1  }
0xbf: {  	_ =	sfence.sel $0xFFFF  }
0xc0: {  	[dreg:$0x0] =	wrdreg $0xFFFFFFFF;
	(pc) =	sbr.abs _section_cstart, $3  }
0xc1: {  	[dreg:$0x1] =	wrdreg $0xFFFFFFFF  }
0xc2: {  	_ =	task.clear_ibuf [dreg:s7], $0x2FFFF;
	_ =	strace $0x9FFFFFFF  }
0xc3: {  	(tm) =	ssettm $0x7FFFFFFF  }
tec
execute0_lowered:
.L_overlay_start_1:
0x0: {  	(tag) =	ssettag $0x1  }
0x1: {  	s0 =	rddreg [dreg:$0x0];
	s13 =	stileid.u32  }
0x2: {  	s1 =	srdreg.scid;
	s6 =	smul.u32 $0x2800, s13  }
0x3: {  	s4 =	rddreg [dreg:$0x1];
	s8 =	smul.u32 $0x13C00, s13  }
0x4: {  	s2 =	rddreg [dreg:$0x2];
	s3 =	simm.s32 $0x0;
	s23 =	smul.u32 $0x278, s13  }
0x5: {  	s28 =	simm.s32 $0x200;
	s29 =	simm.s32 $0x280;
	s12 =	smul.u32 $0x4F000, s13  }
0x6: {  	s30 =	simm.s32 $0x300;
	s1 =	sand.u32 $0x1, s1;
	s15 =	smul.u32 $0x2780, s13  }
0x7: {  	s31 =	simm.s32 $0x380;
	[smem:$0x7FF] =	sst s3;
	s5 =	smul.u32 $0x28000, s1  }
0x8: {  	s9 =	sadd.s32 $0x33000, s0;
	s7 =	smul.u32 $0x13C000, s1;
	s1 =	ssub.s32 $0x2, s1  }
0x9: {  	_ =	strace $0x8000004D;
	s24 =	sshrl.u32 s1, $0x1;
	s25 =	sadd.s32 $0x200, s23  }
0xa: {  	s14 =	sshrl.u32 s12, $0x2;
	s17 =	sadd.s32 $0x80, s23;
	s18 =	sadd.s32 s9, s15  }
0xb: {  	s20 =	sadd.s32 $0x100, s23;
	s23 =	sadd.s32 $0x180, s23;
	s5 =	sadd.s32 s6, s5  }
0xc: {  	s22 =	sadd.s32 s8, s7;
	s11 =	sshll.u32 s25, $0x4;
	s7 =	sshll.u32 s25, $0x7  }
0xd: {  	s1 =	ssub.s32 s1, s24;
	s14 =	sadd.s32 s14, s2;
	[dreg:$0x9] =	wrdreg s18  }
0xe: {  	s19 =	sshll.u32 s17, $0x4;
	s21 =	sshll.u32 s20, $0x4;
	s24 =	sshll.u32 s20, $0x7  }
0xf: {  	s25 =	sshll.u32 s23, $0x4;
	s18 =	simm.s32 $0x1000;
	s20 =	simm.s32 $0x800  }
0x10: {  	s8 =	simm.s32 $0x680;
	s26 =	sadd.s32 s9, s11;
	[dreg:$0x7] =	wrdreg s14  }
0x11: {  	s5 =	sshrl.u32 s5, $0x3;
	s11 =	sadd.s32 s7, s2;
	[dreg:$0x4] =	wrdreg s26  }
0x12: {  	s6 =	sshrl.u32 s22, $0x3;
	s16 =	smax.u32 s1, $0x1;
	[dreg:$0x5] =	wrdreg s11  }
0x13: {  	s1 =	sadd.s32 s9, s19;
	s22 =	sadd.s32 s9, s21;
	[dreg:$0x8] =	wrdreg s16  }
0x14: {  	s19 =	simm.s32 $0x3;
	s21 =	simm.s32 $0x80;
	[dreg:$0xa] =	wrdreg s1  }
0x15: {  	s10 =	sadd.s32 s5, s0;
	s0 =	sadd.s32 s6, s0;
	[dreg:$0xc] =	wrdreg s22  }
0x16: {  	s1 =	sadd.s32 s24, s2;
	s26 =	sadd.s32 s9, s25;
	s16 =	sadd.s32 s5, s4  }
0x17: {  	s22 =	simm.s32 $0x5000;
	s24 =	simm.s32 $0x2;
	s25 =	simm.s32 $0x100  }
0x18: {  	s4 =	simm.s32 $0x500;
	s5 =	simm.s32 $0x580;
	s6 =	simm.s32 $0x600  }
0x19: {  	s9 =	simm.s32 $0x700;
	s0 =	sadd.s32 $0xD3000, s0;
	[dreg:$0xd] =	wrdreg s1  }
0x1a: {  	s11 =	simm.s32 $0x0;
	[dreg:$0x6] =	wrdreg s0;
	s0 =	sshll.u32 s17, $0x7  }
0x1b: {  	[dreg:$0xe] =	wrdreg s26;
	s26 =	simm.s32 $0x180;
	s0 =	sadd.s32 s0, s2  }
0x1c: {  	s1 =	simm.s32 $0x400;
	[dreg:$0xb] =	wrdreg s0;
	s0 =	sshll.u32 s23, $0x7  }
0x1d: {  	s17 =	sadd.s32 $0x28800, s10;
	s10 =	simm.s32 $0x780;
	s0 =	sadd.s32 s0, s2  }
0x1e: {  	s23 =	simm.s32 $0x1;
	[dreg:$0xf] =	wrdreg s0;
	s0 =	simm.s32 $0x480  }
.LBB2_1:
0x1f: {  	s7 =	rddreg [dreg:$0x9]  }
0x20: {  	[tilespmem:s18], [sflag:$0x3] =	stream.linear.gather [hbm4b:s7+s3], $0x4000, $0x38;
	[tilespmem:$0x12E00] =	vst v63  }
0x21: {  	_ =	swait.ge [sflag:s19], $0x4000  }
0x22: {  	[sflag:s19] =	ssyncset.done $0x0  }
0x23: {  	[sflag:s19] =	ssyncadd.s32 $0xFFFFC000  }
0x24: {  	[spmem:s14] =	stream.linear.scatter [tilespmem:s18], [sflag:$0x3], $0x4000, $0x38;
	[tilespmem:$0x12E00] =	vst v63  }
0x25: {  	_ =	swait.ge [sflag:s19], $0x4000  }
0x26: {  	[sflag:s19] =	ssyncset.done $0x0  }
0x27: {  	s15 =	rddreg [dreg:$0xa];
	[sflag:s19] =	ssyncadd.s32 $0xFFFFC000  }
0x28: {  	[tilespmem:s18], [sflag:$0x3] =	stream.linear.gather [hbm4b:s15+s3], $0x4000, $0x38;
	[tilespmem:$0x12E00] =	vst v63  }
0x29: {  	_ =	swait.ge [sflag:s19], $0x4000  }
0x2a: {  	[sflag:s19] =	ssyncset.done $0x0  }
0x2b: {  	s12 =	rddreg [dreg:$0xb];
	[sflag:s19] =	ssyncadd.s32 $0xFFFFC000  }
0x2c: {  	[spmem:s12] =	stream.linear.scatter [tilespmem:s18], [sflag:$0x3], $0x4000, $0x38;
	[tilespmem:$0x12E00] =	vst v63  }
0x2d: {  	_ =	swait.ge [sflag:s19], $0x4000  }
0x2e: {  	[sflag:s19] =	ssyncset.done $0x0  }
0x2f: {  	s13 =	rddreg [dreg:$0xc];
	[sflag:s19] =	ssyncadd.s32 $0xFFFFC000  }
0x30: {  	[tilespmem:s18], [sflag:$0x3] =	stream.linear.gather [hbm4b:s13+s3], $0x4000, $0x38;
	[tilespmem:$0x12E00] =	vst v63  }
0x31: {  	_ =	swait.ge [sflag:s19], $0x4000  }
0x32: {  	[sflag:s19] =	ssyncset.done $0x0  }
0x33: {  	s14 =	rddreg [dreg:$0xd];
	[sflag:s19] =	ssyncadd.s32 $0xFFFFC000  }
0x34: {  	[spmem:s14] =	stream.linear.scatter [tilespmem:s18], [sflag:$0x3], $0x4000, $0x38;
	[tilespmem:$0x12E00] =	vst v63  }
0x35: {  	_ =	swait.ge [sflag:s19], $0x4000  }
0x36: {  	[sflag:s19] =	ssyncset.done $0x0  }
0x37: {  	s15 =	rddreg [dreg:$0xe];
	[sflag:s19] =	ssyncadd.s32 $0xFFFFC000  }
0x38: {  	[tilespmem:s18], [sflag:$0x3] =	stream.linear.gather [hbm4b:s15+s3], $0x4000, $0x38;
	[tilespmem:$0x12E00] =	vst v63  }
0x39: {  	_ =	swait.ge [sflag:s19], $0x4000  }
0x3a: {  	[sflag:s19] =	ssyncset.done $0x0  }
0x3b: {  	s12 =	rddreg [dreg:$0xf];
	[sflag:s19] =	ssyncadd.s32 $0xFFFFC000  }
0x3c: {  	[spmem:s12] =	stream.linear.scatter [tilespmem:s18], [sflag:$0x3], $0x4000, $0x38;
	[tilespmem:$0x12E00] =	vst v63  }
0x3d: {  	_ =	swait.ge [sflag:s19], $0x4000  }
0x3e: {  	[sflag:s19] =	ssyncset.done $0x0  }
0x3f: {  	s13 =	rddreg [dreg:$0x4];
	[sflag:s19] =	ssyncadd.s32 $0xFFFFC000  }
0x40: {  	[tilespmem:s18], [sflag:$0x3] =	stream.linear.gather [hbm4b:s13+s3], $0x3C00, $0x38;
	[tilespmem:$0x12E00] =	vst v63  }
0x41: {  	_ =	swait.ge [sflag:s19], $0x3C00  }
0x42: {  	[sflag:s19] =	ssyncset.done $0x0  }
0x43: {  	s14 =	rddreg [dreg:$0x5];
	[sflag:s19] =	ssyncadd.s32 $0xFFFFC400  }
0x44: {  	[spmem:s14] =	stream.linear.scatter [tilespmem:s18], [sflag:$0x3], $0x3C00, $0x38;
	[tilespmem:$0x12E00] =	vst v63  }
0x45: {  	_ =	swait.ge [sflag:s19], $0x3C00  }
0x46: {  	[sflag:s19] =	ssyncset.done $0x0  }
0x47: {  	[sflag:s19] =	ssyncadd.s32 $0xFFFFC400  }
0x48: {  	s12 =	sadd.s32 $0x0, s17;
	[bflag:$0x0] =	sbarrier.arrive $0xFFFF  }
0x49: {  	[tilespmem:s3], [sflag:$0x3] =	stream.linear.gather [hbm4b:s12+s3], $0x800, $0x38;
	[tilespmem:$0x12E00] =	vst v63  }
0x4a: {  	_ =	swait.ge [sflag:s19], $0x800  }
0x4b: {  	[sflag:s19] =	ssyncset.done $0x0  }
0x4c: {  	s15 =	sadd.s32 $0x0, s16;
	[sflag:s19] =	ssyncadd.s32 $0xFFFFF800  }
0x4d: {  	[tilespmem:s20], [sflag:$0x3] =	stream.linear.gather [hbm4b:s15+s3], $0x800, $0x38;
	[tilespmem:$0x12E00] =	vst v63  }
0x4e: {  	_ =	swait.ge [sflag:s19], $0x800  }
0x4f: {  	[sflag:s19] =	ssyncset.done $0x0  }
0x50: {  	[sflag:s19] =	ssyncadd.s32 $0xFFFFF800  }
0x51: {  	[tilespmem:s18], [sflag:$0x1] =	stream.indirect.gather [spmem:s2], $0x40, s3, s21, $0xb8;
	[tilespmem:$0x12E00] =	vst v63  }
0x52: {  	_ = 	snop  }
0x53: {  	[tilespmem:s22], [sflag:$0x2] =	stream.indirect.gather [spmem:s2], $0x40, s21, s21, $0xb8;
	[tilespmem:$0x12E00] =	vst v63  }
0x54: {  	_ =	swait.ge [sflag:s23], $0x2000  }
0x55: {  	[sflag:s23] =	ssyncset.done $0x0  }
0x56: {  	[sflag:s23] =	ssyncadd.s32 $0xFFFFE000  }
0x57: {  	_ =	swait.ge [sflag:s24], $0x2000  }
0x58: {  	[sflag:s24] =	ssyncset.done $0x0  }
0x59: {  	[sflag:s24] =	ssyncadd.s32 $0xFFFFE000  }
0x5a: {  	[tilespmem:s18], [sflag:$0x1] =	stream.indirect.gather [spmem:s2], $0x40, s25, s21, $0xb8;
	[tilespmem:$0x12E00] =	vst v63  }
0x5b: {  	_ = 	snop  }
0x5c: {  	[tilespmem:s22], [sflag:$0x2] =	stream.indirect.gather [spmem:s2], $0x40, s26, s21, $0xb8;
	[tilespmem:$0x12E00] =	vst v63  }
0x5d: {  	_ =	swait.ge [sflag:s23], $0x2000  }
0x5e: {  	[sflag:s23] =	ssyncset.done $0x0  }
0x5f: {  	[sflag:s23] =	ssyncadd.s32 $0xFFFFE000  }
0x60: {  	_ =	swait.ge [sflag:s24], $0x2000  }
0x61: {  	[sflag:s24] =	ssyncset.done $0x0  }
0x62: {  	[sflag:s24] =	ssyncadd.s32 $0xFFFFE000  }
0x63: {  	[tilespmem:s18], [sflag:$0x1] =	stream.indirect.gather [spmem:s2], $0x40, s28, s21, $0xb8;
	[tilespmem:$0x12E00] =	vst v63  }
0x64: {  	_ = 	snop  }
0x65: {  	[tilespmem:s22], [sflag:$0x2] =	stream.indirect.gather [spmem:s2], $0x40, s29, s21, $0xb8;
	[tilespmem:$0x12E00] =	vst v63  }
0x66: {  	_ =	swait.ge [sflag:s23], $0x2000  }
0x67: {  	[sflag:s23] =	ssyncset.done $0x0  }
0x68: {  	[sflag:s23] =	ssyncadd.s32 $0xFFFFE000  }
0x69: {  	_ =	swait.ge [sflag:s24], $0x2000  }
0x6a: {  	[sflag:s24] =	ssyncset.done $0x0  }
0x6b: {  	[sflag:s24] =	ssyncadd.s32 $0xFFFFE000  }
0x6c: {  	[tilespmem:s18], [sflag:$0x1] =	stream.indirect.gather [spmem:s2], $0x40, s30, s21, $0xb8;
	[tilespmem:$0x12E00] =	vst v63  }
0x6d: {  	_ = 	snop  }
0x6e: {  	[tilespmem:s22], [sflag:$0x2] =	stream.indirect.gather [spmem:s2], $0x40, s31, s21, $0xb8;
	[tilespmem:$0x12E00] =	vst v63  }
0x6f: {  	_ =	swait.ge [sflag:s23], $0x2000  }
0x70: {  	[sflag:s23] =	ssyncset.done $0x0  }
0x71: {  	[sflag:s23] =	ssyncadd.s32 $0xFFFFE000  }
0x72: {  	_ =	swait.ge [sflag:s24], $0x2000  }
0x73: {  	[sflag:s24] =	ssyncset.done $0x0  }
0x74: {  	[sflag:s24] =	ssyncadd.s32 $0xFFFFE000  }
0x75: {  	[tilespmem:s18], [sflag:$0x1] =	stream.indirect.gather [spmem:s2], $0x40, s1, s21, $0xb8;
	[tilespmem:$0x12E00] =	vst v63  }
0x76: {  	_ = 	snop  }
0x77: {  	[tilespmem:s22], [sflag:$0x2] =	stream.indirect.gather [spmem:s2], $0x40, s0, s21, $0xb8;
	[tilespmem:$0x12E00] =	vst v63  }
0x78: {  	_ =	swait.ge [sflag:s23], $0x2000  }
0x79: {  	[sflag:s23] =	ssyncset.done $0x0  }
0x7a: {  	[sflag:s23] =	ssyncadd.s32 $0xFFFFE000  }
0x7b: {  	_ =	swait.ge [sflag:s24], $0x2000  }
0x7c: {  	[sflag:s24] =	ssyncset.done $0x0  }
0x7d: {  	[sflag:s24] =	ssyncadd.s32 $0xFFFFE000  }
0x7e: {  	[tilespmem:s18], [sflag:$0x1] =	stream.indirect.gather [spmem:s2], $0x40, s4, s21, $0xb8;
	[tilespmem:$0x12E00] =	vst v63  }
0x7f: {  	_ = 	snop  }
0x80: {  	[tilespmem:s22], [sflag:$0x2] =	stream.indirect.gather [spmem:s2], $0x40, s5, s21, $0xb8;
	[tilespmem:$0x12E00] =	vst v63  }
0x81: {  	_ =	swait.ge [sflag:s23], $0x2000  }
0x82: {  	[sflag:s23] =	ssyncset.done $0x0  }
0x83: {  	[sflag:s23] =	ssyncadd.s32 $0xFFFFE000  }
0x84: {  	_ =	swait.ge [sflag:s24], $0x2000  }
0x85: {  	[sflag:s24] =	ssyncset.done $0x0  }
0x86: {  	[sflag:s24] =	ssyncadd.s32 $0xFFFFE000  }
0x87: {  	[tilespmem:s18], [sflag:$0x1] =	stream.indirect.gather [spmem:s2], $0x40, s6, s21, $0xb8;
	[tilespmem:$0x12E00] =	vst v63  }
0x88: {  	_ = 	snop  }
0x89: {  	[tilespmem:s22], [sflag:$0x2] =	stream.indirect.gather [spmem:s2], $0x40, s8, s21, $0xb8;
	[tilespmem:$0x12E00] =	vst v63  }
0x8a: {  	_ =	swait.ge [sflag:s23], $0x2000  }
0x8b: {  	[sflag:s23] =	ssyncset.done $0x0  }
0x8c: {  	[sflag:s23] =	ssyncadd.s32 $0xFFFFE000  }
0x8d: {  	_ =	swait.ge [sflag:s24], $0x2000  }
0x8e: {  	[sflag:s24] =	ssyncset.done $0x0  }
0x8f: {  	[sflag:s24] =	ssyncadd.s32 $0xFFFFE000  }
0x90: {  	[tilespmem:s18], [sflag:$0x1] =	stream.indirect.gather [spmem:s2], $0x40, s9, s21, $0xb8;
	[tilespmem:$0x12E00] =	vst v63  }
0x91: {  	_ = 	snop  }
0x92: {  	[tilespmem:s22], [sflag:$0x2] =	stream.indirect.gather [spmem:s2], $0x40, s10, s21, $0xb8;
	[tilespmem:$0x12E00] =	vst v63  }
0x93: {  	_ =	swait.ge [sflag:s23], $0x2000  }
0x94: {  	[sflag:s23] =	ssyncset.done $0x0  }
0x95: {  	[sflag:s23] =	ssyncadd.s32 $0xFFFFE000  }
0x96: {  	_ =	swait.ge [sflag:s24], $0x2000  }
0x97: {  	s13 =	simm.s32 $0x200;
	s12 =	simm.s32 $0x100;
	[sflag:s24] =	ssyncset.done $0x0  }
.LBB2_2:
0x98: {  	s15 =	sadd.s32 s12, s17  }
0x99: {  	[sflag:s24] =	ssyncadd.s32 $0xFFFFE000;
	s7 =	smov.u32 s13;
	s14 =	sadd.s32 $0x100, s13  }
0x9a: {  	[tilespmem:s3], [sflag:$0x3] =	stream.linear.gather [hbm4b:s15+s3], $0x800, $0x38;
	[tilespmem:$0x12E00] =	vst v63  }
0x9b: {  	p0 =	sne.s32 s13, $0x400;
	_ =	swait.ge [sflag:s19], $0x800  }
0x9c: {  	[sflag:s19] =	ssyncset.done $0x0  }
0x9d: {  	s13 =	sadd.s32 s12, s16;
	s12 =	smov.u32 s7;
	[sflag:s19] =	ssyncadd.s32 $0xFFFFF800  }
0x9e: {  	[tilespmem:s20], [sflag:$0x3] =	stream.linear.gather [hbm4b:s13+s3], $0x800, $0x38;
	[tilespmem:$0x12E00] =	vst v63  }
0x9f: {  	_ =	swait.ge [sflag:s19], $0x800  }
0xa0: {  	[sflag:s19] =	ssyncset.done $0x0  }
0xa1: {  	[sflag:s19] =	ssyncadd.s32 $0xFFFFF800  }
0xa2: {  	[tilespmem:s18], [sflag:$0x1] =	stream.indirect.gather [spmem:s2], $0x40, s3, s21, $0xb8;
	[tilespmem:$0x12E00] =	vst v63  }
0xa3: {  	_ = 	snop  }
0xa4: {  	[tilespmem:s22], [sflag:$0x2] =	stream.indirect.gather [spmem:s2], $0x40, s21, s21, $0xb8;
	[tilespmem:$0x12E00] =	vst v63  }
0xa5: {  	_ =	swait.ge [sflag:s23], $0x2000  }
0xa6: {  	[sflag:s23] =	ssyncset.done $0x0  }
0xa7: {  	[sflag:s23] =	ssyncadd.s32 $0xFFFFE000  }
0xa8: {  	_ =	swait.ge [sflag:s24], $0x2000  }
0xa9: {  	[sflag:s24] =	ssyncset.done $0x0  }
0xaa: {  	[sflag:s24] =	ssyncadd.s32 $0xFFFFE000  }
0xab: {  	[tilespmem:s18], [sflag:$0x1] =	stream.indirect.gather [spmem:s2], $0x40, s25, s21, $0xb8;
	[tilespmem:$0x12E00] =	vst v63  }
0xac: {  	_ = 	snop  }
0xad: {  	[tilespmem:s22], [sflag:$0x2] =	stream.indirect.gather [spmem:s2], $0x40, s26, s21, $0xb8;
	[tilespmem:$0x12E00] =	vst v63  }
0xae: {  	_ =	swait.ge [sflag:s23], $0x2000  }
0xaf: {  	[sflag:s23] =	ssyncset.done $0x0  }
0xb0: {  	[sflag:s23] =	ssyncadd.s32 $0xFFFFE000  }
0xb1: {  	_ =	swait.ge [sflag:s24], $0x2000  }
0xb2: {  	[sflag:s24] =	ssyncset.done $0x0  }
0xb3: {  	[sflag:s24] =	ssyncadd.s32 $0xFFFFE000  }
0xb4: {  	[tilespmem:s18], [sflag:$0x1] =	stream.indirect.gather [spmem:s2], $0x40, s28, s21, $0xb8;
	[tilespmem:$0x12E00] =	vst v63  }
0xb5: {  	_ = 	snop  }
0xb6: {  	[tilespmem:s22], [sflag:$0x2] =	stream.indirect.gather [spmem:s2], $0x40, s29, s21, $0xb8;
	[tilespmem:$0x12E00] =	vst v63  }
0xb7: {  	_ =	swait.ge [sflag:s23], $0x2000  }
0xb8: {  	[sflag:s23] =	ssyncset.done $0x0  }
0xb9: {  	[sflag:s23] =	ssyncadd.s32 $0xFFFFE000  }
0xba: {  	_ =	swait.ge [sflag:s24], $0x2000  }
0xbb: {  	[sflag:s24] =	ssyncset.done $0x0  }
0xbc: {  	[sflag:s24] =	ssyncadd.s32 $0xFFFFE000  }
0xbd: {  	[tilespmem:s18], [sflag:$0x1] =	stream.indirect.gather [spmem:s2], $0x40, s30, s21, $0xb8;
	[tilespmem:$0x12E00] =	vst v63  }
0xbe: {  	_ = 	snop  }
0xbf: {  	[tilespmem:s22], [sflag:$0x2] =	stream.indirect.gather [spmem:s2], $0x40, s31, s21, $0xb8;
	[tilespmem:$0x12E00] =	vst v63  }
0xc0: {  	_ =	swait.ge [sflag:s23], $0x2000  }
0xc1: {  	[sflag:s23] =	ssyncset.done $0x0  }
0xc2: {  	[sflag:s23] =	ssyncadd.s32 $0xFFFFE000  }
0xc3: {  	_ =	swait.ge [sflag:s24], $0x2000  }
0xc4: {  	[sflag:s24] =	ssyncset.done $0x0  }
0xc5: {  	[sflag:s24] =	ssyncadd.s32 $0xFFFFE000  }
0xc6: {  	[tilespmem:s18], [sflag:$0x1] =	stream.indirect.gather [spmem:s2], $0x40, s1, s21, $0xb8;
	[tilespmem:$0x12E00] =	vst v63  }
0xc7: {  	_ = 	snop  }
0xc8: {  	[tilespmem:s22], [sflag:$0x2] =	stream.indirect.gather [spmem:s2], $0x40, s0, s21, $0xb8;
	[tilespmem:$0x12E00] =	vst v63  }
0xc9: {  	_ =	swait.ge [sflag:s23], $0x2000  }
0xca: {  	[sflag:s23] =	ssyncset.done $0x0  }
0xcb: {  	[sflag:s23] =	ssyncadd.s32 $0xFFFFE000  }
0xcc: {  	_ =	swait.ge [sflag:s24], $0x2000  }
0xcd: {  	[sflag:s24] =	ssyncset.done $0x0  }
0xce: {  	[sflag:s24] =	ssyncadd.s32 $0xFFFFE000  }
0xcf: {  	[tilespmem:s18], [sflag:$0x1] =	stream.indirect.gather [spmem:s2], $0x40, s4, s21, $0xb8;
	[tilespmem:$0x12E00] =	vst v63  }
0xd0: {  	_ = 	snop  }
0xd1: {  	[tilespmem:s22], [sflag:$0x2] =	stream.indirect.gather [spmem:s2], $0x40, s5, s21, $0xb8;
	[tilespmem:$0x12E00] =	vst v63  }
0xd2: {  	_ =	swait.ge [sflag:s23], $0x2000  }
0xd3: {  	[sflag:s23] =	ssyncset.done $0x0  }
0xd4: {  	[sflag:s23] =	ssyncadd.s32 $0xFFFFE000  }
0xd5: {  	_ =	swait.ge [sflag:s24], $0x2000  }
0xd6: {  	[sflag:s24] =	ssyncset.done $0x0  }
0xd7: {  	[sflag:s24] =	ssyncadd.s32 $0xFFFFE000  }
0xd8: {  	[tilespmem:s18], [sflag:$0x1] =	stream.indirect.gather [spmem:s2], $0x40, s6, s21, $0xb8;
	[tilespmem:$0x12E00] =	vst v63  }
0xd9: {  	_ = 	snop  }
0xda: {  	[tilespmem:s22], [sflag:$0x2] =	stream.indirect.gather [spmem:s2], $0x40, s8, s21, $0xb8;
	[tilespmem:$0x12E00] =	vst v63  }
0xdb: {  	_ =	swait.ge [sflag:s23], $0x2000  }
0xdc: {  	[sflag:s23] =	ssyncset.done $0x0  }
0xdd: {  	[sflag:s23] =	ssyncadd.s32 $0xFFFFE000  }
0xde: {  	_ =	swait.ge [sflag:s24], $0x2000  }
0xdf: {  	[sflag:s24] =	ssyncset.done $0x0  }
0xe0: {  	[sflag:s24] =	ssyncadd.s32 $0xFFFFE000  }
0xe1: {  	[tilespmem:s18], [sflag:$0x1] =	stream.indirect.gather [spmem:s2], $0x40, s9, s21, $0xb8;
	[tilespmem:$0x12E00] =	vst v63  }
0xe2: {  	_ = 	snop  }
0xe3: {  	[tilespmem:s22], [sflag:$0x2] =	stream.indirect.gather [spmem:s2], $0x40, s10, s21, $0xb8;
	[tilespmem:$0x12E00] =	vst v63  }
.Ltmp0:
0xe4: {  	_ =	swait.ge [sflag:s23], $0x2000;
	(pc) =	sbr.rel @p0 .LBB2_2-.Ltmp0, $4  }
0xe5: {  	[sflag:s23] =	ssyncset.done $0x0  }
0xe6: {  	[sflag:s23] =	ssyncadd.s32 $0xFFFFE000  }
0xe7: {  	_ =	swait.ge [sflag:s24], $0x2000  }
0xe8: {  	s13 =	smov.u32 s14;
	[sflag:s24] =	ssyncset.done $0x0  }
0xe9: {  	s7 =	sadd.s32 s12, s17;
	[sflag:s24] =	ssyncadd.s32 $0xFFFFE000  }
0xea: {  	[tilespmem:s3], [sflag:$0x3] =	stream.linear.gather [hbm4b:s7+s3], $0x800, $0x38;
	[tilespmem:$0x12E00] =	vst v63  }
0xeb: {  	_ =	swait.ge [sflag:s19], $0x800  }
0xec: {  	[sflag:s19] =	ssyncset.done $0x0  }
0xed: {  	s13 =	sadd.s32 s12, s16;
	[sflag:s19] =	ssyncadd.s32 $0xFFFFF800  }
0xee: {  	[tilespmem:s20], [sflag:$0x3] =	stream.linear.gather [hbm4b:s13+s3], $0x800, $0x38;
	[tilespmem:$0x12E00] =	vst v63  }
0xef: {  	_ =	swait.ge [sflag:s19], $0x800  }
0xf0: {  	[sflag:s19] =	ssyncset.done $0x0  }
0xf1: {  	[sflag:s19] =	ssyncadd.s32 $0xFFFFF800  }
0xf2: {  	[tilespmem:s18], [sflag:$0x1] =	stream.indirect.gather [spmem:s2], $0x40, s3, s21, $0xb8;
	[tilespmem:$0x12E00] =	vst v63  }
0xf3: {  	_ = 	snop  }
0xf4: {  	[tilespmem:s22], [sflag:$0x2] =	stream.indirect.gather [spmem:s2], $0x40, s21, s21, $0xb8;
	[tilespmem:$0x12E00] =	vst v63  }
0xf5: {  	_ =	swait.ge [sflag:s23], $0x2000  }
0xf6: {  	[sflag:s23] =	ssyncset.done $0x0  }
0xf7: {  	[sflag:s23] =	ssyncadd.s32 $0xFFFFE000  }
0xf8: {  	_ =	swait.ge [sflag:s24], $0x2000  }
0xf9: {  	[sflag:s24] =	ssyncset.done $0x0  }
0xfa: {  	[sflag:s24] =	ssyncadd.s32 $0xFFFFE000  }
0xfb: {  	[tilespmem:s18], [sflag:$0x1] =	stream.indirect.gather [spmem:s2], $0x40, s25, s21, $0xb8;
	[tilespmem:$0x12E00] =	vst v63  }
0xfc: {  	_ = 	snop  }
0xfd: {  	[tilespmem:s22], [sflag:$0x2] =	stream.indirect.gather [spmem:s2], $0x40, s26, s21, $0xb8;
	[tilespmem:$0x12E00] =	vst v63  }
0xfe: {  	_ =	swait.ge [sflag:s23], $0x2000  }
0xff: {  	[sflag:s23] =	ssyncset.done $0x0  }
0x100: {  	[sflag:s23] =	ssyncadd.s32 $0xFFFFE000  }
0x101: {  	_ =	swait.ge [sflag:s24], $0x2000  }
0x102: {  	[sflag:s24] =	ssyncset.done $0x0  }
0x103: {  	[sflag:s24] =	ssyncadd.s32 $0xFFFFE000  }
0x104: {  	[tilespmem:s18], [sflag:$0x1] =	stream.indirect.gather [spmem:s2], $0x40, s28, s21, $0xb8;
	[tilespmem:$0x12E00] =	vst v63  }
0x105: {  	_ = 	snop  }
0x106: {  	[tilespmem:s22], [sflag:$0x2] =	stream.indirect.gather [spmem:s2], $0x40, s29, s21, $0xb8;
	[tilespmem:$0x12E00] =	vst v63  }
0x107: {  	_ =	swait.ge [sflag:s23], $0x2000  }
0x108: {  	[sflag:s23] =	ssyncset.done $0x0  }
0x109: {  	[sflag:s23] =	ssyncadd.s32 $0xFFFFE000  }
0x10a: {  	_ =	swait.ge [sflag:s24], $0x2000  }
0x10b: {  	[sflag:s24] =	ssyncset.done $0x0  }
0x10c: {  	[sflag:s24] =	ssyncadd.s32 $0xFFFFE000  }
0x10d: {  	[tilespmem:s18], [sflag:$0x1] =	stream.indirect.gather [spmem:s2], $0x40, s30, s21, $0xb8;
	[tilespmem:$0x12E00] =	vst v63  }
0x10e: {  	_ = 	snop  }
0x10f: {  	[tilespmem:s22], [sflag:$0x2] =	stream.indirect.gather [spmem:s2], $0x40, s31, s21, $0xb8;
	[tilespmem:$0x12E00] =	vst v63  }
0x110: {  	_ =	swait.ge [sflag:s23], $0x2000  }
0x111: {  	[sflag:s23] =	ssyncset.done $0x0  }
0x112: {  	[sflag:s23] =	ssyncadd.s32 $0xFFFFE000  }
0x113: {  	_ =	swait.ge [sflag:s24], $0x2000  }
0x114: {  	[sflag:s24] =	ssyncset.done $0x0  }
0x115: {  	[sflag:s24] =	ssyncadd.s32 $0xFFFFE000  }
0x116: {  	[tilespmem:s18], [sflag:$0x1] =	stream.indirect.gather [spmem:s2], $0x40, s1, s21, $0xb8;
	[tilespmem:$0x12E00] =	vst v63  }
0x117: {  	_ = 	snop  }
0x118: {  	[tilespmem:s22], [sflag:$0x2] =	stream.indirect.gather [spmem:s2], $0x40, s0, s21, $0xb8;
	[tilespmem:$0x12E00] =	vst v63  }
0x119: {  	_ =	swait.ge [sflag:s23], $0x2000  }
0x11a: {  	[sflag:s23] =	ssyncset.done $0x0  }
0x11b: {  	[sflag:s23] =	ssyncadd.s32 $0xFFFFE000  }
0x11c: {  	_ =	swait.ge [sflag:s24], $0x2000  }
0x11d: {  	[sflag:s24] =	ssyncset.done $0x0  }
0x11e: {  	[sflag:s24] =	ssyncadd.s32 $0xFFFFE000  }
0x11f: {  	[tilespmem:s18], [sflag:$0x1] =	stream.indirect.gather [spmem:s2], $0x40, s4, s21, $0xb8;
	[tilespmem:$0x12E00] =	vst v63  }
0x120: {  	_ = 	snop  }
0x121: {  	[tilespmem:s22], [sflag:$0x2] =	stream.indirect.gather [spmem:s2], $0x40, s5, s21, $0xb8;
	[tilespmem:$0x12E00] =	vst v63  }
0x122: {  	_ =	swait.ge [sflag:s23], $0x2000  }
0x123: {  	[sflag:s23] =	ssyncset.done $0x0  }
0x124: {  	[sflag:s23] =	ssyncadd.s32 $0xFFFFE000  }
0x125: {  	_ =	swait.ge [sflag:s24], $0x2000  }
0x126: {  	[sflag:s24] =	ssyncset.done $0x0  }
0x127: {  	[sflag:s24] =	ssyncadd.s32 $0xFFFFE000  }
0x128: {  	[tilespmem:s18], [sflag:$0x1] =	stream.indirect.gather [spmem:s2], $0x40, s6, s21, $0xb8;
	[tilespmem:$0x12E00] =	vst v63  }
0x129: {  	_ = 	snop  }
0x12a: {  	[tilespmem:s22], [sflag:$0x2] =	stream.indirect.gather [spmem:s2], $0x40, s8, s21, $0xb8;
	[tilespmem:$0x12E00] =	vst v63  }
0x12b: {  	_ =	swait.ge [sflag:s23], $0x2000  }
0x12c: {  	[sflag:s23] =	ssyncset.done $0x0  }
0x12d: {  	[sflag:s23] =	ssyncadd.s32 $0xFFFFE000  }
0x12e: {  	_ =	swait.ge [sflag:s24], $0x2000  }
0x12f: {  	[sflag:s24] =	ssyncset.done $0x0  }
0x130: {  	[sflag:s24] =	ssyncadd.s32 $0xFFFFE000  }
0x131: {  	[tilespmem:s18], [sflag:$0x1] =	stream.indirect.gather [spmem:s2], $0x40, s9, s21, $0xb8;
	[tilespmem:$0x12E00] =	vst v63  }
0x132: {  	_ = 	snop  }
0x133: {  	[tilespmem:s22], [sflag:$0x2] =	stream.indirect.gather [spmem:s2], $0x40, s10, s21, $0xb8;
	[tilespmem:$0x12E00] =	vst v63  }
0x134: {  	_ =	swait.ge [sflag:s23], $0x2000  }
0x135: {  	[sflag:s23] =	ssyncset.done $0x0  }
0x136: {  	[sflag:s23] =	ssyncadd.s32 $0xFFFFE000  }
0x137: {  	_ =	swait.ge [sflag:s24], $0x2000  }
0x138: {  	[sflag:s24] =	ssyncset.done $0x0  }
0x139: {  	[sflag:s24] =	ssyncadd.s32 $0xFFFFE000  }
0x13a: {  	s14 =	stileid.u32;
	[bflag:$0x0] =	sbarrier.arrive $0xFFFF  }
0x13b: {  	s7 =	sshll.u32 s14, $0x6;
	s14 =	rddreg [dreg:$0x7]  }
0x13c: {  	s7 =	sor.u32 $0x1C03, s7;
	s13 =	rddreg [dreg:$0x6];
	s15 =	sshrl.u32 s14, $0x3  }
0x13d: {  	[hbm:s13], [sflag:s7] =	dma.local [spmem:s15], $0x2780  }
0x13e: {  	_ =	swait.ge [sflag:s19], $0x2780  }
0x13f: {  	s11 =	sadd.s32 $0x1, s11;
	s15 =	rddreg [dreg:$0x8]  }
0x140: {  	p0 =	sne.s32 s11, s15  }
.Ltmp1:
0x141: {  	_ = 	snop;
	(pc) =	sbr.rel @p0 .LBB2_1-.Ltmp1, $3  }
0x142: {  	_ =	sdelay $0x1  }
0x143: {  	[sflag:s19] =	ssyncset.done $0x0  }
0x144: {  	[sflag:s19] =	ssyncadd.s32 $0xFFFFD880  }
0x145: {  	_ =	sfence.sel $0x180000  }
0x146: {  	[bflag:$0x0] =	sbarrier.arrive $0xFFFF  }
0x147: {  	_ =	strace $0x9000004D  }
0x148: {  	s0 =	stileid.u32;
	[bflag:$0x2] =	sbarrier.arrive $0xFFFF  }
0x149: {  	p0 =	sne.s32 s0, $0x0;
	s0 =	rddreg [dreg:$0x3]  }
0x14a: {  	s0 =	sadd.s32 @!p0 $0x100000, s0  }
0x14b: {  	[sflag:s0] =	ssyncadd.tile.s32 @!p0 $0x1;
	_ =	shalt  }
.Lfunc_end2:
_tile_overlayer_lowered:
.L_overlay_start_2:
0x14c: {  	(tag) =	ssettag $0x2  }
0x14d: {  	s0 =	rddreg [dreg:$0x0];
	s2 =	stileid.u32  }
0x14e: {  	s1 =	rddreg [dreg:$0x1];
	p0 =	sne.s32 s2, $0x0  }
0x14f: {  	s3 =	rddreg [dreg:$0x2];
	[bflag:$0x3] =	sbarrier.arrive $0xFFFF;
	s2 =	simm.s32 @!p0 $0x1C03  }
0x150: {  	[timem:s3], [sflag:s2] =	dma.local @!p0 [hbm:s0], s1  }
0x151: {  	s0 =	simm.s32 @!p0 $0x3  }
0x152: {  	_ =	swait.ge @!p0 [sflag:s0], s1  }
0x153: {  	s1 =	ssub.s32 @!p0 $0x0, s1;
	[sflag:s0] =	ssyncset.done @!p0 $0x0  }
0x154: {  	[sflag:s0] =	ssyncadd.s32 @!p0 s1  }
0x155: {  	[bflag:$0x3] =	sbarrier.arrive $0xFFFF  }
0x156: {  	_ =	shalt  }

// kernel: kernel.7.cloned.1.call-start
scs
__scs_entry_jumppad:
0x0: {  	(pc) =	sbr.rel $0x88, $3  }
0x1: {  	(tag) =	ssettag $0x0;
	lr =	simm.s32 $0x1  }
0x2: {  	[smem:$0x3F9C] =	sst lr;
	_ =	strace $0xD0000000  }
0x3: {  	_ = 	snop  }
0x4: {  	_ = 	snop  }
0x5: {  	_ = 	snop  }
0x6: {  	_ = 	snop  }
0x7: {  	_ = 	snop  }
__scs_overlays_trampoline_lowered:
0x8: {  	[smem:$0x3FAB] =	sst s0  }
0x9: {  	[smem:$0x3FAC] =	sst s1  }
0xa: {  	[smem:$0x3FAD] =	sst s2  }
0xb: {  	[smem:$0x3FAE] =	sst s3  }
0xc: {  	[smem:$0x3FAF] =	sst s4  }
0xd: {  	[smem:$0x3FB0] =	sst s5  }
0xe: {  	[smem:$0x3FB1] =	sst s6  }
0xf: {  	[smem:$0x3FB2] =	sst s7  }
0x10: {  	[smem:$0x3FB3] =	sst s8  }
0x11: {  	[smem:$0x3FB4] =	sst s9;
	s0 =	simm.s32 @!p0 $0x0  }
0x12: {  	s1 =	sld [smem:$0x3F9A];
	s0 =	simm.s32 @p0 $0x1  }
0x13: {  	[smem:$0x3FB5] =	sst s0;
	s0 =	simm.s32 @!p1 $0x0  }
0x14: {  	s2 =	sld [smem:$0x3F99];
	s0 =	simm.s32 @p1 $0x1  }
0x15: {  	[smem:$0x3FB6] =	sst s0;
	s0 =	simm.s32 @!p2 $0x0  }
0x16: {  	s3 =	sld [smem:$0x3FDB];
	s0 =	simm.s32 @p2 $0x1  }
0x17: {  	s4 =	simm.s32 $0x1BF5;
	[smem:$0x3FB8] =	sst s0  }
0x18: {  	s0 =	sld [smem:$0x3F9B];
	_ =	swait.ge [sflag:s4], $0x0  }
0x19: {  	s7 =	sld [smem:$0x3F9C]  }
0x1a: {  	s8 =	sadd.s32 $0xFFFFE003, lr  }
0x1b: {  	s9 =	sadd.s32 $0xFFFFFEF7, lr;
	s5 =	simm.s32 $0xFFFFFFFF;
	p2 =	slt.u32 s8, $0xFFFFF086  }
0x1c: {  	p1 =	slt.u32 s9, $0xF7A;
	s5 =	simm.s32 @!p2 $0x0  }
0x1d: {  	s5 =	simm.s32 @p1 $0x1;
	p0 =	seq.s32 s7, s2  }
0x1e: {  	s7 =	smul.u32 @!p0 $0xF7A, s2;
	p2 =	seq.s32 @!p0 s5, $0x0  }
0x1f: {  	s9 =	smul.u32 $0xF7A, s1;
	s8 =	simm.s32 @!p0 $0x1BF5;
	p2 =	por !p2, p0  }
0x20: {  	[sflag:s8] =	ssyncset.s32 @!p0 $0xFFFFF086;
	s6 =	sadd.s32 @!p0 s3, s7;
	s7 =	simm.s32 @!p0 $0x108  }
0x21: {  	s3 =	sadd.s32 s3, s9;
	s6 =	sadd.s32 @!p0 $0x88, s6;
	s7 =	simm.s32 @p2 $0x1082  }
0x22: {  	[simem:s7], [sflag:s8] =	dma.local @!p0 [hbm:s6], $0xF7A  }
0x23: {  	s9 =	sor.u32 $0xD0000000, s2;
	s6 =	simm.s32 $0x108;
	_ =	swait.ge @!p0 [sflag:s8], $0x0  }
0x24: {  	s3 =	sadd.s32 $0x88, s3;
	s6 =	simm.s32 @!p1 $0x1082;
	[sflag:s4] =	ssyncset.s32 $0xFFFFF086  }
0x25: {  	[simem:s6], [sflag:s4] =	dma.local [hbm:s3], $0xF7A  }
0x26: {  	[smem:$0x3F9C] =	sst s1;
	(tag) =	ssettag s2;
	_ =	strace s9  }
0x27: {  	s1 =	sld [smem:$0x3FAC]  }
0x28: {  	s2 =	sld [smem:$0x3FAD]  }
0x29: {  	s4 =	sld [smem:$0x3FAF]  }
0x2a: {  	p0 =	seq.s32 s5, $0x0;
	s5 =	sld [smem:$0x3FB0]  }
0x2b: {  	s6 =	sld [smem:$0x3FB1]  }
0x2c: {  	s7 =	sld [smem:$0x3FB2]  }
0x2d: {  	s3 =	simm.s32 $0x108;
	s8 =	sld [smem:$0x3FB3]  }
0x2e: {  	s3 =	simm.s32 @!p0 $0x1082;
	s9 =	sld [smem:$0x3FB4]  }
0x2f: {  	lr =	sadd.s32 s0, s3;
	s0 =	sld [smem:$0x3FAB]  }
0x30: {  	s3 =	sld [smem:$0x3FAE]  }
0x31: {  	[smem:$0x3FB7] =	sst s10  }
0x32: {  	s10 =	sld [smem:$0x3FB5];
	_ =	sdelay $0x3  }
0x33: {  	p0 =	seq.s32 s10, $0x1;
	s10 =	sld [smem:$0x3FB7];
	_ =	sdelay $0x3  }
0x34: {  	[smem:$0x3FB7] =	sst s10  }
0x35: {  	s10 =	sld [smem:$0x3FB6];
	_ =	sdelay $0x3  }
0x36: {  	p1 =	seq.s32 s10, $0x1;
	s10 =	sld [smem:$0x3FB7];
	_ =	sdelay $0x3  }
0x37: {  	[smem:$0x3FB7] =	sst s10  }
0x38: {  	s10 =	sld [smem:$0x3FB8]  }
0x39: {  	_ = 	snop;
	(pc) =	sbr.ind lr, $3  }
0x3a: {  	_ = 	snop  }
0x3b: {  	_ = 	snop  }
0x3c: {  	p2 =	seq.s32 s10, $0x1;
	s10 =	sld [smem:$0x3FB7]  }
0x3d: {  	_ =	shalt  }
0x3e: {  	_ =	shalt  }
0x3f: {  	_ =	shalt  }
0x40: {  	_ =	shalt  }
0x41: {  	_ =	shalt  }
0x42: {  	_ =	shalt  }
0x43: {  	_ =	shalt  }
0x44: {  	_ =	shalt  }
0x45: {  	_ =	shalt  }
0x46: {  	_ =	shalt  }
0x47: {  	_ =	shalt  }
0x48: {  	_ =	shalt  }
0x49: {  	_ =	shalt  }
0x4a: {  	_ =	shalt  }
0x4b: {  	_ =	shalt  }
0x4c: {  	_ =	shalt  }
0x4d: {  	_ =	shalt  }
0x4e: {  	_ =	shalt  }
0x4f: {  	_ =	shalt  }
0x50: {  	_ =	shalt  }
0x51: {  	_ =	shalt  }
0x52: {  	_ =	shalt  }
0x53: {  	_ =	shalt  }
0x54: {  	_ =	shalt  }
0x55: {  	_ =	shalt  }
0x56: {  	_ =	shalt  }
0x57: {  	_ =	shalt  }
0x58: {  	_ =	shalt  }
0x59: {  	_ =	shalt  }
0x5a: {  	_ =	shalt  }
0x5b: {  	_ =	shalt  }
0x5c: {  	_ =	shalt  }
0x5d: {  	_ =	shalt  }
0x5e: {  	_ =	shalt  }
0x5f: {  	_ =	shalt  }
0x60: {  	_ =	shalt  }
0x61: {  	_ =	shalt  }
0x62: {  	_ =	shalt  }
0x63: {  	_ =	shalt  }
0x64: {  	_ =	shalt  }
0x65: {  	_ =	shalt  }
0x66: {  	_ =	shalt  }
0x67: {  	_ =	shalt  }
0x68: {  	_ =	shalt  }
0x69: {  	_ =	shalt  }
0x6a: {  	_ =	shalt  }
0x6b: {  	_ =	shalt  }
0x6c: {  	_ =	shalt  }
0x6d: {  	_ =	shalt  }
0x6e: {  	_ =	shalt  }
0x6f: {  	_ =	shalt  }
0x70: {  	_ =	shalt  }
0x71: {  	_ =	shalt  }
0x72: {  	_ =	shalt  }
0x73: {  	_ =	shalt  }
0x74: {  	_ =	shalt  }
0x75: {  	_ =	shalt  }
0x76: {  	_ =	shalt  }
0x77: {  	_ =	shalt  }
0x78: {  	_ =	shalt  }
0x79: {  	_ =	shalt  }
0x7a: {  	_ =	shalt  }
0x7b: {  	_ =	shalt  }
0x7c: {  	_ =	shalt  }
0x7d: {  	_ =	shalt  }
0x7e: {  	_ =	shalt  }
0x7f: {  	_ =	shalt  }
0x80: {  	_ =	shalt  }
0x81: {  	_ =	shalt  }
0x82: {  	_ =	shalt  }
0x83: {  	_ =	shalt  }
0x84: {  	_ =	shalt  }
0x85: {  	_ =	shalt  }
0x86: {  	_ =	shalt  }
0x87: {  	_ =	shalt  }
.Lfunc_end0:
.L_simem_size_0:
called_computation_lowered:
.L_overlay_start_0:
0x88: {  	s2 =	sld [smem:$0x3FD9]  }
0x89: {  	s3 =	sld [smem:$0x3FFE];
	_ =	sdelay $0x1  }
0x8a: {  	s1 =	srdreg.scid  }
0x8b: {  	s0 =	sand.u32 $0x1, s1  }
0x8c: {  	s17 =	sshll.u32 s0, $0xA;
	s2 =	sadd.s32 s3, s2  }
0x8d: {  	s2 =	sadd.s32 s2, s17  }
0x8e: {  	[smem:$0x3FC3] =	sst s2  }
0x8f: {  	_ = 	snop  }
0x90: {  	s18 =	sld [smem:$0x3FD0];
	(tm) =	ssettm $0x1  }
0x91: {  	s19 =	sld [smem:$0x3FFB];
	_ =	sdelay $0x3  }
0x92: {  	_ =	strace s19  }
0x93: {  	s2 =	sld [smem:$0x3FFC];
	_ =	sdelay $0x3  }
0x94: {  	_ =	strace s2  }
0x95: {  	s2 =	sld [smem:$0x3FFD];
	_ =	sdelay $0x3  }
0x96: {  	_ =	strace s2  }
0x97: {  	_ =	strace $0x8FFFFFFF  }
0x98: {  	s20 =	sld [smem:$0x3FDB];
	_ =	sdelay $0x1  }
0x99: {  	s4 =	simm.s32 $_scs_section_size  }
0x9a: {  	s5 =	simm.s32 $_size__tile_overlayer_lowered;
	s6 =	simm.s32 $_tile_overlayer_lowered  }
0x9b: {  	s7 =	simm.s32 $0x1BFF;
	s21 =	sshll.u32 s6, $0x1;
	s4 =	sadd.s32 s4, s20  }
0x9c: {  	s22 =	simm.s32 $0x0;
	s5 =	sshll.u32 s5, $0x1;
	s6 =	sadd.s32 s21, s4  }
0x9d: {  	[timem:s22], [sflag:s7] =	dma.local [hbm:s6], s5  }
0x9e: {  	_ =	swait.ge [sflag:s7], s5  }
0x9f: {  	s5 =	ssub.s32 $0x0, s5;
	[sflag:s7] =	ssyncset.done $0x0  }
0xa0: {  	[sflag:s7] =	ssyncadd.s32 s5;
	_ =	sdelay $0x1  }
0xa1: {  	s23 =	simm.s32 $0x1B8B  }
0xa2: {  	_ =	swait.ge [sflag:s23], $0x1  }
0xa3: {  	[sflag:s23] =	ssyncset.done $0x0  }
0xa4: {  	[sflag:s23] =	ssyncadd.s32 $0xFFFFFFFF  }
0xa5: {  	s5 =	sld [smem:$0x0]  }
0xa6: {  	s6 =	sand.u32 $0xFFFFFFFE, s1  }
0xa7: {  	p0 =	sne.s32 s1, s6  }
0xa8: {  	s6 =	sshll.u32 @p0 s6, $0xE  }
0xa9: {  	s6 =	sadd.s32 @p0 $0x11B8D, s6;
	s7 =	sshll.u32 @p0 s5, $0x11  }
0xaa: {  	s6 =	sor.u32 @p0 s7, s6  }
0xab: {  	[sflag:s6] =	ssyncadd.remote.s32 @p0 $0x1;
	_ =	sdelay $0x1  }
0xac: {  	s6 =	simm.s32 @p0 $0x1B8D  }
0xad: {  	_ =	swait.eq @p0 [sflag:s6], $0x1  }
0xae: {  	[sflag:s6] =	ssyncadd.s32 @p0 $0xFFFFFFFF  }
0xaf: {  	s7 =	sshll.u32 @!p0 s1, $0xE  }
0xb0: {  	s7 =	sor.u32 @!p0 $0x4000, s7;
	s6 =	simm.s32 @!p0 $0x1B8D  }
0xb1: {  	s5 =	sshll.u32 @!p0 s5, $0x11;
	s7 =	sadd.s32 @!p0 $0x11B8D, s7;
	_ =	swait.eq @!p0 [sflag:s6], $0x1  }
0xb2: {  	s5 =	sor.u32 @!p0 s5, s7;
	[sflag:s6] =	ssyncadd.s32 @!p0 $0xFFFFFFFF  }
0xb3: {  	s25 =	simm.s32 $0x1B8E;
	s24 =	sld [smem:$0x3FFE];
	[sflag:s5] =	ssyncadd.remote.s32 @!p0 $0x1  }
0xb4: {  	s26 =	simm.s32 $execute0_lowered;
	[smem:$0x3FD2] =	sst s25  }
0xb5: {  	s6 =	sshll.u32 s26, $0x1;
	_ =	strace $0x80000049;
	[dreg:$0x1] =	wrdreg $0xFFFFFFFF  }
0xb6: {  	s28 =	simm.s32 $_size_execute0_lowered;
	s4 =	sadd.s32 s4, s6;
	[dreg:$0x0] =	wrdreg $0x0  }
0xb7: {  	s6 =	sshll.u32 s28, $0x1;
	[dreg:$0x2] =	wrdreg s4  }
0xb8: {  	[dreg:$0x3] =	wrdreg s6  }
0xb9: {  	[dreg:$0x4] =	wrdreg $0xC0  }
0xba: {  	_ =	task [dreg:s22], $0x5FFFF  }
0xbb: {  	[dreg:$0x1] =	wrdreg $0xFFFFFFFF  }
0xbc: {  	[dreg:$0x0] =	wrdreg $0x60  }
0xbd: {  	[dreg:$0x2] =	wrdreg s18  }
0xbe: {  	[dreg:$0x3] =	wrdreg s24  }
0xbf: {  	[dreg:$0x4] =	wrdreg $0x88000  }
0xc0: {  	[dreg:$0x5] =	wrdreg $0x9  }
0xc1: {  	_ =	task.clear_ibuf [dreg:s22], $0x6FFFF;
	_ =	strace $0x90000049  }
0xc2: {  	s29 =	simm.s32 $0x9;
	_ =	strace $0x8000004B  }
0xc3: {  	_ =	swait.ge [sflag:s29], $0x1  }
0xc4: {  	[sflag:s29] =	ssyncadd.s32 $0xFFFFFFFF  }
0xc5: {  	_ =	strace $0x9000004B  }
0xc6: {  	_ =	sfence  }
0xc7: {  	s30 =	sld [smem:$0x0];
	_ =	sdelay $0x2  }
0xc8: {  	s31 =	sshll.u32 s1, $0xD;
	s1 =	sshrl.u32 s1, $0x2  }
0xc9: {  	s4 =	sand.u32 $0x4000, s31;
	s1 =	sadd.s32 s1, s30  }
0xca: {  	s0 =	sor.u32 s4, s0;
	s1 =	sshll.u32 s1, $0x11  }
0xcb: {  	s0 =	sor.u32 s1, s0  }
0xcc: {  	s0 =	sadd.s32 $0x8F2B, s0  }
0xcd: {  	[sflag:s0] =	ssyncadd.remote.s32 $0x1  }
0xce: {  	_ =	sfence.sel $0xFFFF  }
0xcf: {  	[dreg:$0x0] =	wrdreg $0xFFFFFFFF;
	(pc) =	sbr.abs _section_cstart, $3  }
0xd0: {  	[dreg:$0x1] =	wrdreg $0xFFFFFFFF  }
0xd1: {  	_ =	task.clear_ibuf [dreg:s22], $0x2FFFF;
	_ =	strace $0x9FFFFFFF  }
0xd2: {  	(tm) =	ssettm $0x7FFFFFFF  }
0xd3: {  	_ =	shalt  }
tec
execute0_lowered:
.L_overlay_start_1:
0x0: {  	(tag) =	ssettag $0x1  }
0x1: {  	s0 =	rddreg [dreg:$0x0]  }
0x2: {  	s1 =	rddreg [dreg:$0x1];
	s3 =	srdreg.scid  }
0x3: {  	s2 =	rddreg [dreg:$0x2];
	s8 =	stileid.u32;
	s13 =	simm.s32 $0x800  }
0x4: {  	s14 =	simm.s32 $0x1;
	s15 =	simm.s32 $0x80;
	s16 =	simm.s32 $0x4800  }
0x5: {  	s17 =	simm.s32 $0x100;
	s18 =	simm.s32 $0x180;
	s19 =	simm.s32 $0x200  }
0x6: {  	s20 =	simm.s32 $0x280;
	s21 =	simm.s32 $0x300;
	s28 =	simm.s32 $0x600  }
0x7: {  	s29 =	simm.s32 $0x680;
	s30 =	simm.s32 $0x700;
	s6 =	smul.u32 $0x14000, s8  }
0x8: {  	s31 =	simm.s32 $0x780;
	s4 =	sand.u32 $0x1, s3;
	s23 =	smul.u32 $0x50000, s8  }
0x9: {  	s3 =	simm.s32 $0x0;
	s22 =	sadd.s32 $0x82000, s1;
	s9 =	smul.u32 $0x2800, s8  }
0xa: {  	s5 =	smul.u32 $0x140000, s4;
	[smem:$0x7FF] =	sst s3;
	s24 =	ssub.s32 $0x2, s4  }
0xb: {  	s4 =	smul.u32 $0x28000, s4;
	_ =	strace $0x8000004A;
	[dreg:$0x4] =	wrdreg s22  }
0xc: {  	s7 =	sshrl.u32 s24, $0x1;
	s22 =	simm.s32 $0x380;
	s5 =	sadd.s32 s6, s5  }
0xd: {  	s6 =	sshrl.u32 s23, $0x2;
	s7 =	ssub.s32 s24, s7;
	s26 =	sadd.s32 s9, s4  }
0xe: {  	s23 =	simm.s32 $0x400;
	s24 =	simm.s32 $0x480;
	s5 =	sshrl.u32 s5, $0x3  }
0xf: {  	s25 =	smax.u32 s7, $0x1;
	s1 =	sadd.s32 s5, s1;
	s5 =	sadd.s32 s6, s2  }
0x10: {  	[dreg:$0x6] =	wrdreg s25;
	s25 =	simm.s32 $0x500;
	s1 =	sadd.s32 $0x83000, s1  }
0x11: {  	s8 =	sadd.s32 $0x4000, s5;
	s9 =	sadd.s32 $0x8000, s5;
	s10 =	sadd.s32 $0xC000, s5  }
0x12: {  	s11 =	sadd.s32 $0x10000, s5;
	[dreg:$0x5] =	wrdreg s1;
	s1 =	sshrl.u32 s26, $0x3  }
0x13: {  	s26 =	simm.s32 $0x580;
	s12 =	sadd.s32 s1, s0;
	s0 =	simm.s32 $0x0  }
.LBB2_1:
0x14: {  	s1 =	rddreg [dreg:$0x4]  }
0x15: {  	[tilespmem:s13], [sflag:$0x1] =	stream.linear.gather [hbm4b:s1+s3], $0x8000, $0x38;
	[tilespmem:$0xB000] =	vst v63  }
0x16: {  	_ =	swait.ge [sflag:s14], $0x8000  }
0x17: {  	[sflag:s14] =	ssyncset.done $0x0  }
0x18: {  	[sflag:s14] =	ssyncadd.s32 $0xFFFF8000  }
0x19: {  	[spmem:s5] =	stream.linear.scatter [tilespmem:s13], [sflag:$0x1], $0x4000, $0x38;
	[tilespmem:$0xB000] =	vst v63  }
0x1a: {  	_ =	swait.ge [sflag:s14], $0x4000  }
0x1b: {  	[sflag:s14] =	ssyncset.done $0x0  }
0x1c: {  	[sflag:s14] =	ssyncadd.s32 $0xFFFFC000  }
0x1d: {  	[spmem:s8] =	stream.linear.scatter [tilespmem:s13], [sflag:$0x1], $0x4000, $0x38;
	[tilespmem:$0xB000] =	vst v63  }
0x1e: {  	_ =	swait.ge [sflag:s14], $0x4000  }
0x1f: {  	[sflag:s14] =	ssyncset.done $0x0  }
0x20: {  	[sflag:s14] =	ssyncadd.s32 $0xFFFFC000  }
0x21: {  	[spmem:s9] =	stream.linear.scatter [tilespmem:s13], [sflag:$0x1], $0x4000, $0x38;
	[tilespmem:$0xB000] =	vst v63  }
0x22: {  	_ =	swait.ge [sflag:s14], $0x4000  }
0x23: {  	[sflag:s14] =	ssyncset.done $0x0  }
0x24: {  	[sflag:s14] =	ssyncadd.s32 $0xFFFFC000  }
0x25: {  	[spmem:s10] =	stream.linear.scatter [tilespmem:s13], [sflag:$0x1], $0x4000, $0x38;
	[tilespmem:$0xB000] =	vst v63  }
0x26: {  	_ =	swait.ge [sflag:s14], $0x4000  }
0x27: {  	[sflag:s14] =	ssyncset.done $0x0  }
0x28: {  	[sflag:s14] =	ssyncadd.s32 $0xFFFFC000  }
0x29: {  	[spmem:s11] =	stream.linear.scatter [tilespmem:s13], [sflag:$0x1], $0x4000, $0x38;
	[tilespmem:$0xB000] =	vst v63  }
0x2a: {  	_ =	swait.ge [sflag:s14], $0x4000  }
0x2b: {  	[sflag:s14] =	ssyncset.done $0x0  }
0x2c: {  	[sflag:s14] =	ssyncadd.s32 $0xFFFFC000  }
0x2d: {  	s7 =	sadd.s32 $0x0, s12;
	[bflag:$0x0] =	sbarrier.arrive $0xFFFF  }
0x2e: {  	[tilespmem:s3], [sflag:$0x1] =	stream.linear.gather [hbm4b:s7+s3], $0x800, $0x38;
	[tilespmem:$0xB000] =	vst v63  }
0x2f: {  	_ =	swait.ge [sflag:s14], $0x800  }
0x30: {  	[sflag:s14] =	ssyncset.done $0x0  }
0x31: {  	[sflag:s14] =	ssyncadd.s32 $0xFFFFF800  }
0x32: {  	[spmem:s2] =	stream.indirect.scatter.add.f32 [tilespmem:s16], [sflag:$0x1], $0x10, s3, s15, $0xb8;
	[tilespmem:$0xB000] =	vst v63  }
0x33: {  	_ =	swait.ge [sflag:s14], $0x800  }
0x34: {  	[sflag:s14] =	ssyncset.done $0x0  }
0x35: {  	[sflag:s14] =	ssyncadd.s32 $0xFFFFF800  }
0x36: {  	[spmem:s2] =	stream.indirect.scatter.add.f32 [tilespmem:s16], [sflag:$0x1], $0x10, s15, s15, $0xb8;
	[tilespmem:$0xB000] =	vst v63  }
0x37: {  	_ =	swait.ge [sflag:s14], $0x800  }
0x38: {  	[sflag:s14] =	ssyncset.done $0x0  }
0x39: {  	[sflag:s14] =	ssyncadd.s32 $0xFFFFF800  }
0x3a: {  	[spmem:s2] =	stream.indirect.scatter.add.f32 [tilespmem:s16], [sflag:$0x1], $0x10, s17, s15, $0xb8;
	[tilespmem:$0xB000] =	vst v63  }
0x3b: {  	_ =	swait.ge [sflag:s14], $0x800  }
0x3c: {  	[sflag:s14] =	ssyncset.done $0x0  }
0x3d: {  	[sflag:s14] =	ssyncadd.s32 $0xFFFFF800  }
0x3e: {  	[spmem:s2] =	stream.indirect.scatter.add.f32 [tilespmem:s16], [sflag:$0x1], $0x10, s18, s15, $0xb8;
	[tilespmem:$0xB000] =	vst v63  }
0x3f: {  	_ =	swait.ge [sflag:s14], $0x800  }
0x40: {  	[sflag:s14] =	ssyncset.done $0x0  }
0x41: {  	[sflag:s14] =	ssyncadd.s32 $0xFFFFF800  }
0x42: {  	[spmem:s2] =	stream.indirect.scatter.add.f32 [tilespmem:s16], [sflag:$0x1], $0x10, s19, s15, $0xb8;
	[tilespmem:$0xB000] =	vst v63  }
0x43: {  	_ =	swait.ge [sflag:s14], $0x800  }
0x44: {  	[sflag:s14] =	ssyncset.done $0x0  }
0x45: {  	[sflag:s14] =	ssyncadd.s32 $0xFFFFF800  }
0x46: {  	[spmem:s2] =	stream.indirect.scatter.add.f32 [tilespmem:s16], [sflag:$0x1], $0x10, s20, s15, $0xb8;
	[tilespmem:$0xB000] =	vst v63  }
0x47: {  	_ =	swait.ge [sflag:s14], $0x800  }
0x48: {  	[sflag:s14] =	ssyncset.done $0x0  }
0x49: {  	[sflag:s14] =	ssyncadd.s32 $0xFFFFF800  }
0x4a: {  	[spmem:s2] =	stream.indirect.scatter.add.f32 [tilespmem:s16], [sflag:$0x1], $0x10, s21, s15, $0xb8;
	[tilespmem:$0xB000] =	vst v63  }
0x4b: {  	_ =	swait.ge [sflag:s14], $0x800  }
0x4c: {  	[sflag:s14] =	ssyncset.done $0x0  }
0x4d: {  	[sflag:s14] =	ssyncadd.s32 $0xFFFFF800  }
0x4e: {  	[spmem:s2] =	stream.indirect.scatter.add.f32 [tilespmem:s16], [sflag:$0x1], $0x10, s22, s15, $0xb8;
	[tilespmem:$0xB000] =	vst v63  }
0x4f: {  	_ =	swait.ge [sflag:s14], $0x800  }
0x50: {  	[sflag:s14] =	ssyncset.done $0x0  }
0x51: {  	[sflag:s14] =	ssyncadd.s32 $0xFFFFF800  }
0x52: {  	[spmem:s2] =	stream.indirect.scatter.add.f32 [tilespmem:s16], [sflag:$0x1], $0x10, s23, s15, $0xb8;
	[tilespmem:$0xB000] =	vst v63  }
0x53: {  	_ =	swait.ge [sflag:s14], $0x800  }
0x54: {  	[sflag:s14] =	ssyncset.done $0x0  }
0x55: {  	[sflag:s14] =	ssyncadd.s32 $0xFFFFF800  }
0x56: {  	[spmem:s2] =	stream.indirect.scatter.add.f32 [tilespmem:s16], [sflag:$0x1], $0x10, s24, s15, $0xb8;
	[tilespmem:$0xB000] =	vst v63  }
0x57: {  	_ =	swait.ge [sflag:s14], $0x800  }
0x58: {  	[sflag:s14] =	ssyncset.done $0x0  }
0x59: {  	[sflag:s14] =	ssyncadd.s32 $0xFFFFF800  }
0x5a: {  	[spmem:s2] =	stream.indirect.scatter.add.f32 [tilespmem:s16], [sflag:$0x1], $0x10, s25, s15, $0xb8;
	[tilespmem:$0xB000] =	vst v63  }
0x5b: {  	_ =	swait.ge [sflag:s14], $0x800  }
0x5c: {  	[sflag:s14] =	ssyncset.done $0x0  }
0x5d: {  	[sflag:s14] =	ssyncadd.s32 $0xFFFFF800  }
0x5e: {  	[spmem:s2] =	stream.indirect.scatter.add.f32 [tilespmem:s16], [sflag:$0x1], $0x10, s26, s15, $0xb8;
	[tilespmem:$0xB000] =	vst v63  }
0x5f: {  	_ =	swait.ge [sflag:s14], $0x800  }
0x60: {  	[sflag:s14] =	ssyncset.done $0x0  }
0x61: {  	[sflag:s14] =	ssyncadd.s32 $0xFFFFF800  }
0x62: {  	[spmem:s2] =	stream.indirect.scatter.add.f32 [tilespmem:s16], [sflag:$0x1], $0x10, s28, s15, $0xb8;
	[tilespmem:$0xB000] =	vst v63  }
0x63: {  	_ =	swait.ge [sflag:s14], $0x800  }
0x64: {  	[sflag:s14] =	ssyncset.done $0x0  }
0x65: {  	[sflag:s14] =	ssyncadd.s32 $0xFFFFF800  }
0x66: {  	[spmem:s2] =	stream.indirect.scatter.add.f32 [tilespmem:s16], [sflag:$0x1], $0x10, s29, s15, $0xb8;
	[tilespmem:$0xB000] =	vst v63  }
0x67: {  	_ =	swait.ge [sflag:s14], $0x800  }
0x68: {  	[sflag:s14] =	ssyncset.done $0x0  }
0x69: {  	[sflag:s14] =	ssyncadd.s32 $0xFFFFF800  }
0x6a: {  	[spmem:s2] =	stream.indirect.scatter.add.f32 [tilespmem:s16], [sflag:$0x1], $0x10, s30, s15, $0xb8;
	[tilespmem:$0xB000] =	vst v63  }
0x6b: {  	_ =	swait.ge [sflag:s14], $0x800  }
0x6c: {  	[sflag:s14] =	ssyncset.done $0x0  }
0x6d: {  	[sflag:s14] =	ssyncadd.s32 $0xFFFFF800  }
0x6e: {  	[spmem:s2] =	stream.indirect.scatter.add.f32 [tilespmem:s16], [sflag:$0x1], $0x10, s31, s15, $0xb8;
	[tilespmem:$0xB000] =	vst v63  }
0x6f: {  	_ =	swait.ge [sflag:s14], $0x800  }
0x70: {  	s4 =	simm.s32 $0x200;
	s1 =	simm.s32 $0x100;
	[sflag:s14] =	ssyncset.done $0x0  }
.LBB2_2:
0x71: {  	s7 =	sadd.s32 s1, s12  }
0x72: {  	[sflag:s14] =	ssyncadd.s32 $0xFFFFF800;
	s1 =	smov.u32 s4;
	s6 =	sadd.s32 $0x100, s4  }
0x73: {  	[tilespmem:s3], [sflag:$0x1] =	stream.linear.gather [hbm4b:s7+s3], $0x800, $0x38;
	[tilespmem:$0xB000] =	vst v63  }
0x74: {  	p0 =	sne.s32 s4, $0x400;
	_ =	swait.ge [sflag:s14], $0x800  }
0x75: {  	[sflag:s14] =	ssyncset.done $0x0  }
0x76: {  	[sflag:s14] =	ssyncadd.s32 $0xFFFFF800  }
0x77: {  	[spmem:s2] =	stream.indirect.scatter.add.f32 [tilespmem:s16], [sflag:$0x1], $0x10, s3, s15, $0xb8;
	[tilespmem:$0xB000] =	vst v63  }
0x78: {  	_ =	swait.ge [sflag:s14], $0x800  }
0x79: {  	[sflag:s14] =	ssyncset.done $0x0  }
0x7a: {  	[sflag:s14] =	ssyncadd.s32 $0xFFFFF800  }
0x7b: {  	[spmem:s2] =	stream.indirect.scatter.add.f32 [tilespmem:s16], [sflag:$0x1], $0x10, s15, s15, $0xb8;
	[tilespmem:$0xB000] =	vst v63  }
0x7c: {  	_ =	swait.ge [sflag:s14], $0x800  }
0x7d: {  	[sflag:s14] =	ssyncset.done $0x0  }
0x7e: {  	[sflag:s14] =	ssyncadd.s32 $0xFFFFF800  }
0x7f: {  	[spmem:s2] =	stream.indirect.scatter.add.f32 [tilespmem:s16], [sflag:$0x1], $0x10, s17, s15, $0xb8;
	[tilespmem:$0xB000] =	vst v63  }
0x80: {  	_ =	swait.ge [sflag:s14], $0x800  }
0x81: {  	[sflag:s14] =	ssyncset.done $0x0  }
0x82: {  	[sflag:s14] =	ssyncadd.s32 $0xFFFFF800  }
0x83: {  	[spmem:s2] =	stream.indirect.scatter.add.f32 [tilespmem:s16], [sflag:$0x1], $0x10, s18, s15, $0xb8;
	[tilespmem:$0xB000] =	vst v63  }
0x84: {  	_ =	swait.ge [sflag:s14], $0x800  }
0x85: {  	[sflag:s14] =	ssyncset.done $0x0  }
0x86: {  	[sflag:s14] =	ssyncadd.s32 $0xFFFFF800  }
0x87: {  	[spmem:s2] =	stream.indirect.scatter.add.f32 [tilespmem:s16], [sflag:$0x1], $0x10, s19, s15, $0xb8;
	[tilespmem:$0xB000] =	vst v63  }
0x88: {  	_ =	swait.ge [sflag:s14], $0x800  }
0x89: {  	[sflag:s14] =	ssyncset.done $0x0  }
0x8a: {  	[sflag:s14] =	ssyncadd.s32 $0xFFFFF800  }
0x8b: {  	[spmem:s2] =	stream.indirect.scatter.add.f32 [tilespmem:s16], [sflag:$0x1], $0x10, s20, s15, $0xb8;
	[tilespmem:$0xB000] =	vst v63  }
0x8c: {  	_ =	swait.ge [sflag:s14], $0x800  }
0x8d: {  	[sflag:s14] =	ssyncset.done $0x0  }
0x8e: {  	[sflag:s14] =	ssyncadd.s32 $0xFFFFF800  }
0x8f: {  	[spmem:s2] =	stream.indirect.scatter.add.f32 [tilespmem:s16], [sflag:$0x1], $0x10, s21, s15, $0xb8;
	[tilespmem:$0xB000] =	vst v63  }
0x90: {  	_ =	swait.ge [sflag:s14], $0x800  }
0x91: {  	[sflag:s14] =	ssyncset.done $0x0  }
0x92: {  	[sflag:s14] =	ssyncadd.s32 $0xFFFFF800  }
0x93: {  	[spmem:s2] =	stream.indirect.scatter.add.f32 [tilespmem:s16], [sflag:$0x1], $0x10, s22, s15, $0xb8;
	[tilespmem:$0xB000] =	vst v63  }
0x94: {  	_ =	swait.ge [sflag:s14], $0x800  }
0x95: {  	[sflag:s14] =	ssyncset.done $0x0  }
0x96: {  	[sflag:s14] =	ssyncadd.s32 $0xFFFFF800  }
0x97: {  	[spmem:s2] =	stream.indirect.scatter.add.f32 [tilespmem:s16], [sflag:$0x1], $0x10, s23, s15, $0xb8;
	[tilespmem:$0xB000] =	vst v63  }
0x98: {  	_ =	swait.ge [sflag:s14], $0x800  }
0x99: {  	[sflag:s14] =	ssyncset.done $0x0  }
0x9a: {  	[sflag:s14] =	ssyncadd.s32 $0xFFFFF800  }
0x9b: {  	[spmem:s2] =	stream.indirect.scatter.add.f32 [tilespmem:s16], [sflag:$0x1], $0x10, s24, s15, $0xb8;
	[tilespmem:$0xB000] =	vst v63  }
0x9c: {  	_ =	swait.ge [sflag:s14], $0x800  }
0x9d: {  	[sflag:s14] =	ssyncset.done $0x0  }
0x9e: {  	[sflag:s14] =	ssyncadd.s32 $0xFFFFF800  }
0x9f: {  	[spmem:s2] =	stream.indirect.scatter.add.f32 [tilespmem:s16], [sflag:$0x1], $0x10, s25, s15, $0xb8;
	[tilespmem:$0xB000] =	vst v63  }
0xa0: {  	_ =	swait.ge [sflag:s14], $0x800  }
0xa1: {  	[sflag:s14] =	ssyncset.done $0x0  }
0xa2: {  	[sflag:s14] =	ssyncadd.s32 $0xFFFFF800  }
0xa3: {  	[spmem:s2] =	stream.indirect.scatter.add.f32 [tilespmem:s16], [sflag:$0x1], $0x10, s26, s15, $0xb8;
	[tilespmem:$0xB000] =	vst v63  }
0xa4: {  	_ =	swait.ge [sflag:s14], $0x800  }
0xa5: {  	[sflag:s14] =	ssyncset.done $0x0  }
0xa6: {  	[sflag:s14] =	ssyncadd.s32 $0xFFFFF800  }
0xa7: {  	[spmem:s2] =	stream.indirect.scatter.add.f32 [tilespmem:s16], [sflag:$0x1], $0x10, s28, s15, $0xb8;
	[tilespmem:$0xB000] =	vst v63  }
0xa8: {  	_ =	swait.ge [sflag:s14], $0x800  }
0xa9: {  	[sflag:s14] =	ssyncset.done $0x0  }
0xaa: {  	[sflag:s14] =	ssyncadd.s32 $0xFFFFF800  }
0xab: {  	[spmem:s2] =	stream.indirect.scatter.add.f32 [tilespmem:s16], [sflag:$0x1], $0x10, s29, s15, $0xb8;
	[tilespmem:$0xB000] =	vst v63  }
0xac: {  	_ =	swait.ge [sflag:s14], $0x800  }
0xad: {  	[sflag:s14] =	ssyncset.done $0x0  }
0xae: {  	[sflag:s14] =	ssyncadd.s32 $0xFFFFF800  }
0xaf: {  	[spmem:s2] =	stream.indirect.scatter.add.f32 [tilespmem:s16], [sflag:$0x1], $0x10, s30, s15, $0xb8;
	[tilespmem:$0xB000] =	vst v63  }
0xb0: {  	_ =	swait.ge [sflag:s14], $0x800  }
.Ltmp0:
0xb1: {  	[sflag:s14] =	ssyncset.done $0x0;
	(pc) =	sbr.rel @p0 .LBB2_2-.Ltmp0, $4  }
0xb2: {  	[sflag:s14] =	ssyncadd.s32 $0xFFFFF800  }
0xb3: {  	[spmem:s2] =	stream.indirect.scatter.add.f32 [tilespmem:s16], [sflag:$0x1], $0x10, s31, s15, $0xb8;
	[tilespmem:$0xB000] =	vst v63  }
0xb4: {  	_ =	swait.ge [sflag:s14], $0x800  }
0xb5: {  	s4 =	smov.u32 s6;
	[sflag:s14] =	ssyncset.done $0x0  }
0xb6: {  	s1 =	sadd.s32 s1, s12;
	[sflag:s14] =	ssyncadd.s32 $0xFFFFF800  }
0xb7: {  	[tilespmem:s3], [sflag:$0x1] =	stream.linear.gather [hbm4b:s1+s3], $0x800, $0x38;
	[tilespmem:$0xB000] =	vst v63  }
0xb8: {  	_ =	swait.ge [sflag:s14], $0x800  }
0xb9: {  	[sflag:s14] =	ssyncset.done $0x0  }
0xba: {  	[sflag:s14] =	ssyncadd.s32 $0xFFFFF800  }
0xbb: {  	[spmem:s2] =	stream.indirect.scatter.add.f32 [tilespmem:s16], [sflag:$0x1], $0x10, s3, s15, $0xb8;
	[tilespmem:$0xB000] =	vst v63  }
0xbc: {  	_ =	swait.ge [sflag:s14], $0x800  }
0xbd: {  	[sflag:s14] =	ssyncset.done $0x0  }
0xbe: {  	[sflag:s14] =	ssyncadd.s32 $0xFFFFF800  }
0xbf: {  	[spmem:s2] =	stream.indirect.scatter.add.f32 [tilespmem:s16], [sflag:$0x1], $0x10, s15, s15, $0xb8;
	[tilespmem:$0xB000] =	vst v63  }
0xc0: {  	_ =	swait.ge [sflag:s14], $0x800  }
0xc1: {  	[sflag:s14] =	ssyncset.done $0x0  }
0xc2: {  	[sflag:s14] =	ssyncadd.s32 $0xFFFFF800  }
0xc3: {  	[spmem:s2] =	stream.indirect.scatter.add.f32 [tilespmem:s16], [sflag:$0x1], $0x10, s17, s15, $0xb8;
	[tilespmem:$0xB000] =	vst v63  }
0xc4: {  	_ =	swait.ge [sflag:s14], $0x800  }
0xc5: {  	[sflag:s14] =	ssyncset.done $0x0  }
0xc6: {  	[sflag:s14] =	ssyncadd.s32 $0xFFFFF800  }
0xc7: {  	[spmem:s2] =	stream.indirect.scatter.add.f32 [tilespmem:s16], [sflag:$0x1], $0x10, s18, s15, $0xb8;
	[tilespmem:$0xB000] =	vst v63  }
0xc8: {  	_ =	swait.ge [sflag:s14], $0x800  }
0xc9: {  	[sflag:s14] =	ssyncset.done $0x0  }
0xca: {  	[sflag:s14] =	ssyncadd.s32 $0xFFFFF800  }
0xcb: {  	[spmem:s2] =	stream.indirect.scatter.add.f32 [tilespmem:s16], [sflag:$0x1], $0x10, s19, s15, $0xb8;
	[tilespmem:$0xB000] =	vst v63  }
0xcc: {  	_ =	swait.ge [sflag:s14], $0x800  }
0xcd: {  	[sflag:s14] =	ssyncset.done $0x0  }
0xce: {  	[sflag:s14] =	ssyncadd.s32 $0xFFFFF800  }
0xcf: {  	[spmem:s2] =	stream.indirect.scatter.add.f32 [tilespmem:s16], [sflag:$0x1], $0x10, s20, s15, $0xb8;
	[tilespmem:$0xB000] =	vst v63  }
0xd0: {  	_ =	swait.ge [sflag:s14], $0x800  }
0xd1: {  	[sflag:s14] =	ssyncset.done $0x0  }
0xd2: {  	[sflag:s14] =	ssyncadd.s32 $0xFFFFF800  }
0xd3: {  	[spmem:s2] =	stream.indirect.scatter.add.f32 [tilespmem:s16], [sflag:$0x1], $0x10, s21, s15, $0xb8;
	[tilespmem:$0xB000] =	vst v63  }
0xd4: {  	_ =	swait.ge [sflag:s14], $0x800  }
0xd5: {  	[sflag:s14] =	ssyncset.done $0x0  }
0xd6: {  	[sflag:s14] =	ssyncadd.s32 $0xFFFFF800  }
0xd7: {  	[spmem:s2] =	stream.indirect.scatter.add.f32 [tilespmem:s16], [sflag:$0x1], $0x10, s22, s15, $0xb8;
	[tilespmem:$0xB000] =	vst v63  }
0xd8: {  	_ =	swait.ge [sflag:s14], $0x800  }
0xd9: {  	[sflag:s14] =	ssyncset.done $0x0  }
0xda: {  	[sflag:s14] =	ssyncadd.s32 $0xFFFFF800  }
0xdb: {  	[spmem:s2] =	stream.indirect.scatter.add.f32 [tilespmem:s16], [sflag:$0x1], $0x10, s23, s15, $0xb8;
	[tilespmem:$0xB000] =	vst v63  }
0xdc: {  	_ =	swait.ge [sflag:s14], $0x800  }
0xdd: {  	[sflag:s14] =	ssyncset.done $0x0  }
0xde: {  	[sflag:s14] =	ssyncadd.s32 $0xFFFFF800  }
0xdf: {  	[spmem:s2] =	stream.indirect.scatter.add.f32 [tilespmem:s16], [sflag:$0x1], $0x10, s24, s15, $0xb8;
	[tilespmem:$0xB000] =	vst v63  }
0xe0: {  	_ =	swait.ge [sflag:s14], $0x800  }
0xe1: {  	[sflag:s14] =	ssyncset.done $0x0  }
0xe2: {  	[sflag:s14] =	ssyncadd.s32 $0xFFFFF800  }
0xe3: {  	[spmem:s2] =	stream.indirect.scatter.add.f32 [tilespmem:s16], [sflag:$0x1], $0x10, s25, s15, $0xb8;
	[tilespmem:$0xB000] =	vst v63  }
0xe4: {  	_ =	swait.ge [sflag:s14], $0x800  }
0xe5: {  	[sflag:s14] =	ssyncset.done $0x0  }
0xe6: {  	[sflag:s14] =	ssyncadd.s32 $0xFFFFF800  }
0xe7: {  	[spmem:s2] =	stream.indirect.scatter.add.f32 [tilespmem:s16], [sflag:$0x1], $0x10, s26, s15, $0xb8;
	[tilespmem:$0xB000] =	vst v63  }
0xe8: {  	_ =	swait.ge [sflag:s14], $0x800  }
0xe9: {  	[sflag:s14] =	ssyncset.done $0x0  }
0xea: {  	[sflag:s14] =	ssyncadd.s32 $0xFFFFF800  }
0xeb: {  	[spmem:s2] =	stream.indirect.scatter.add.f32 [tilespmem:s16], [sflag:$0x1], $0x10, s28, s15, $0xb8;
	[tilespmem:$0xB000] =	vst v63  }
0xec: {  	_ =	swait.ge [sflag:s14], $0x800  }
0xed: {  	[sflag:s14] =	ssyncset.done $0x0  }
0xee: {  	[sflag:s14] =	ssyncadd.s32 $0xFFFFF800  }
0xef: {  	[spmem:s2] =	stream.indirect.scatter.add.f32 [tilespmem:s16], [sflag:$0x1], $0x10, s29, s15, $0xb8;
	[tilespmem:$0xB000] =	vst v63  }
0xf0: {  	_ =	swait.ge [sflag:s14], $0x800  }
0xf1: {  	[sflag:s14] =	ssyncset.done $0x0  }
0xf2: {  	[sflag:s14] =	ssyncadd.s32 $0xFFFFF800  }
0xf3: {  	[spmem:s2] =	stream.indirect.scatter.add.f32 [tilespmem:s16], [sflag:$0x1], $0x10, s30, s15, $0xb8;
	[tilespmem:$0xB000] =	vst v63  }
0xf4: {  	_ =	swait.ge [sflag:s14], $0x800  }
0xf5: {  	[sflag:s14] =	ssyncset.done $0x0  }
0xf6: {  	[sflag:s14] =	ssyncadd.s32 $0xFFFFF800  }
0xf7: {  	[spmem:s2] =	stream.indirect.scatter.add.f32 [tilespmem:s16], [sflag:$0x1], $0x10, s31, s15, $0xb8;
	[tilespmem:$0xB000] =	vst v63  }
0xf8: {  	_ =	swait.ge [sflag:s14], $0x800  }
0xf9: {  	[sflag:s14] =	ssyncset.done $0x0  }
0xfa: {  	s6 =	stileid.u32;
	[sflag:s14] =	ssyncadd.s32 $0xFFFFF800  }
0xfb: {  	s1 =	sshll.u32 s6, $0x6;
	[bflag:$0x0] =	sbarrier.arrive $0xFFFF  }
0xfc: {  	s4 =	sshrl.u32 s5, $0x3;
	s1 =	sor.u32 $0x1C01, s1;
	s6 =	rddreg [dreg:$0x5]  }
0xfd: {  	[hbm:s6], [sflag:s1] =	dma.local [spmem:s4], $0x2800  }
0xfe: {  	_ =	swait.ge [sflag:s14], $0x2800  }
0xff: {  	s0 =	sadd.s32 $0x1, s0;
	s7 =	rddreg [dreg:$0x6]  }
0x100: {  	p0 =	sne.s32 s0, s7  }
.Ltmp1:
0x101: {  	_ = 	snop;
	(pc) =	sbr.rel @p0 .LBB2_1-.Ltmp1, $3  }
0x102: {  	_ =	sdelay $0x1  }
0x103: {  	[sflag:s14] =	ssyncset.done $0x0  }
0x104: {  	[sflag:s14] =	ssyncadd.s32 $0xFFFFD800  }
0x105: {  	_ =	sfence.sel $0x180000  }
0x106: {  	[bflag:$0x0] =	sbarrier.arrive $0xFFFF  }
0x107: {  	_ =	strace $0x9000004A  }
0x108: {  	s0 =	stileid.u32;
	[bflag:$0x2] =	sbarrier.arrive $0xFFFF  }
0x109: {  	p0 =	sne.s32 s0, $0x0;
	s0 =	rddreg [dreg:$0x3]  }
0x10a: {  	s0 =	sadd.s32 @!p0 $0x100000, s0  }
0x10b: {  	[sflag:s0] =	ssyncadd.tile.s32 @!p0 $0x1;
	_ =	shalt  }
.Lfunc_end2:
_tile_overlayer_lowered:
.L_overlay_start_2:
0x10c: {  	(tag) =	ssettag $0x2  }
0x10d: {  	s0 =	rddreg [dreg:$0x0];
	s2 =	stileid.u32  }
0x10e: {  	s1 =	rddreg [dreg:$0x1];
	p0 =	sne.s32 s2, $0x0  }
0x10f: {  	s3 =	rddreg [dreg:$0x2];
	[bflag:$0x3] =	sbarrier.arrive $0xFFFF;
	s2 =	simm.s32 @!p0 $0x1C01  }
0x110: {  	[timem:s3], [sflag:s2] =	dma.local @!p0 [hbm:s0], s1  }
0x111: {  	s0 =	simm.s32 @!p0 $0x1  }
0x112: {  	_ =	swait.ge @!p0 [sflag:s0], s1  }
0x113: {  	s1 =	ssub.s32 @!p0 $0x0, s1;
	[sflag:s0] =	ssyncset.done @!p0 $0x0  }
0x114: {  	[sflag:s0] =	ssyncadd.s32 @!p0 s1  }
0x115: {  	[bflag:$0x3] =	sbarrier.arrive $0xFFFF  }
0x116: {  	_ =	shalt  }

</sc_bundles>
